<compile_context>
chip_gen: v7x
topology: tpu7x:2x2x1
jax: 0.10.2.dev20260603
libtpu: 0.0.44.dev20260713+nightly
codegen_flags: <defaults>
</compile_context>

<pallas_src>
import functools

import jax
import jax.numpy as jnp
from jax import lax
from jax.experimental import pallas as pl
from jax.experimental.pallas import tpu as pltpu
from jax.experimental.pallas import tpu_sc as plsc

Q = 1024
D = 128
C = 64
K = 10
N_BANK = 100000
QB = 128
NQB = Q // QB
BLK = 512
N_PAD = 100352
NBLK = N_PAD // BLK
RB = 16
BIGI = 2**30
BIGF = 1e30
NW = 32
RPW = Q * K // NW
GCH = 4
GCW = RPW // GCH


def _topk_body(x_ref, y_ref, out_idx_ref, rb_s, rb_i, nb_s, nb_i, s_ref):
    pid = pl.program_id(0)
    qid = pl.program_id(1)

    @pl.when(pid == 0)
    def _init():
        rb_s[qid] = jnp.full((RB, QB), jnp.inf, jnp.float32)
        rb_i[qid] = jnp.full((RB, QB), BIGF, jnp.float32)

    x = x_ref[...]
    y = y_ref[...]
    y2 = jnp.sum(y * y, axis=1, keepdims=True)
    yx = lax.dot_general(y, x, (((1,), (1,)), ((), ())),
                         preferred_element_type=jnp.float32)
    row = (lax.broadcasted_iota(jnp.int32, (BLK, QB), 0).astype(jnp.float32)
           + jnp.float32(pid * BLK))
    s_ref[...] = jnp.where(row < N_BANK, y2 - 2.0 * yx, jnp.inf)

    nb_s[...] = jnp.full((RB, QB), jnp.inf, jnp.float32)
    nb_i[...] = jnp.full((RB, QB), BIGF, jnp.float32)
    for k in range(K):
        s = s_ref[...]
        m1 = jnp.min(s, axis=0, keepdims=True)
        ci_s = jnp.min(jnp.where(s == m1, row, BIGF), axis=0, keepdims=True)
        rs = rb_s[qid]
        ri = rb_i[qid]
        m2 = jnp.min(rs, axis=0, keepdims=True)
        use_rb = m2 <= m1
        ci_r = jnp.min(jnp.where(rs == m2, ri, BIGF), axis=0, keepdims=True)
        nb_s[pl.ds(k, 1), :] = jnp.where(use_rb, m2, m1)
        nb_i[pl.ds(k, 1), :] = jnp.where(use_rb, ci_r, ci_s)
        sel_blk = jnp.where(use_rb, -1.0, ci_s)
        sel_rb = jnp.where(use_rb, ci_r, -1.0)
        s_ref[...] = jnp.where(row == sel_blk, jnp.inf, s)
        rb_s[qid] = jnp.where(ri == sel_rb, jnp.inf, rs)
    rb_s[qid] = nb_s[...]
    rb_i[qid] = nb_i[...]

    @pl.when(pid == NBLK - 1)
    def _emit():
        out_idx_ref[...] = nb_i[...].astype(jnp.int32)


def _mean_argmax_body(rows_ref, probs_ref, lab_ref):
    acc = rows_ref[0]
    for j in range(1, K):
        acc = acc + rows_ref[j]
    p = acc * jnp.float32(1.0 / K)
    probs_ref[...] = p
    m = jnp.max(p, axis=1, keepdims=True)
    ii = lax.broadcasted_iota(jnp.int32, (Q, C), 1)
    lab_ref[...] = jnp.min(jnp.where(p == m, ii, C), axis=1, keepdims=True)


@functools.cache
def _make_sc_gather():
    mesh = plsc.VectorSubcoreMesh(core_axis_name="c", subcore_axis_name="s")

    @functools.partial(
        pl.kernel,
        mesh=mesh,
        out_type=jax.ShapeDtypeStruct((Q * K, C), jnp.float32),
        scratch_types=[
            pltpu.VMEM((NW * GCH, GCW), jnp.int32),
            pltpu.VMEM((RPW, C), jnp.float32),
            pltpu.SemaphoreType.DMA,
        ],
        compiler_params=pltpu.CompilerParams(use_tc_tiling_on_sc=False),
    )
    def _sc_gather(idx_hbm, probs_hbm, out_hbm, idx_v, rows_v, sem):
        wid = lax.axis_index("s") * 2 + lax.axis_index("c")
        pltpu.sync_copy(idx_hbm, idx_v)
        copies = []
        for t in range(GCH):
            cp = pltpu.async_copy(
                probs_hbm.at[idx_v.at[wid * GCH + t]],
                rows_v.at[pl.ds(t * GCW, GCW)],
                sem,
            )
            copies.append(cp)
        for cp in copies:
            cp.wait()
        pltpu.sync_copy(rows_v, out_hbm.at[pl.ds(wid * RPW, RPW)])

    return _sc_gather


def _run_topk(features, features_bank):
    return pl.pallas_call(
        _topk_body,
        grid=(NBLK, NQB),
        in_specs=[
            pl.BlockSpec((QB, D), lambda i, q: (q, 0)),
            pl.BlockSpec((BLK, D), lambda i, q: (i, 0)),
        ],
        out_specs=pl.BlockSpec((RB, QB), lambda i, q: (0, q)),
        out_shape=jax.ShapeDtypeStruct((RB, Q), jnp.int32),
        scratch_shapes=[
            pltpu.VMEM((NQB, RB, QB), jnp.float32),
            pltpu.VMEM((NQB, RB, QB), jnp.float32),
            pltpu.VMEM((RB, QB), jnp.float32),
            pltpu.VMEM((RB, QB), jnp.float32),
            pltpu.VMEM((BLK, QB), jnp.float32),
        ],
    )(features, features_bank)


def _run_mean_argmax(rows3d):
    return pl.pallas_call(
        _mean_argmax_body,
        out_shape=[
            jax.ShapeDtypeStruct((Q, C), jnp.float32),
            jax.ShapeDtypeStruct((Q, 1), jnp.int32),
        ],
    )(rows3d)


def kernel(features, features_bank, probs_bank):
    top_idx = _run_topk(features, features_bank)
    idx_t = top_idx[:K].reshape(NW * GCH, GCW)
    rows = _make_sc_gather()(idx_t, probs_bank)
    probs, lab = _run_mean_argmax(rows.reshape(K, Q, C))
    return (lab[:, 0], probs)

# --- scband reference (transcript-rebuilt; emitter-appended) ---
"""Pipeline reference for scband-ada-contrast-44478681317390 (READ-ONLY COPY).

The authoritative reference and input builder live on the scoring server;
editing this copy changes nothing except your own understanding.
"""

import jax, jax.numpy as jnp
import numpy as np

NUM_NEIGHBORS = 10
CHUNK = 64  # mirrors features.split(64) in the torch code


def setup_inputs(seed: int = 0) -> dict:
    key = jax.random.key(seed)
    k1, k2, k3 = jax.random.split(key, 3)
    features = jax.random.normal(k1, (1024, 128), dtype=jnp.float32)
    features_bank = jax.random.normal(k2, (100000, 128), dtype=jnp.float32)
    p = jax.random.uniform(k3, (100000, 64), dtype=jnp.float32)
    probs_bank = p / jnp.sum(p, axis=1, keepdims=True)  # valid probability rows
    return {"features": features, "features_bank": features_bank, "probs_bank": probs_bank}


def _euclidean_cdist(X, Y):
    # torch.cdist(X, Y) with p=2
    x2 = jnp.sum(X * X, axis=1, keepdims=True)
    y2 = jnp.sum(Y * Y, axis=1)[None, :]
    sq = x2 + y2 - 2.0 * (X @ Y.T)
    return jnp.sqrt(jnp.maximum(sq, 0.0))


def reference(features, features_bank, probs_bank):
    # soft_k_nearest_neighbors from AdaContrast (refine_method='nearest_neighbors',
    # dist_type='euclidean', num_neighbors=10)
    pred_probs_chunks = []
    n = features.shape[0]
    for i in range(0, n, CHUNK):
        feats = features[i:i + CHUNK]
        distances = _euclidean_cdist(feats, features_bank)
        idxs = jnp.argsort(distances, axis=1)[:, :NUM_NEIGHBORS]
        probs = probs_bank[idxs, :].mean(axis=1)
        pred_probs_chunks.append(probs)
    pred_probs = jnp.concatenate(pred_probs_chunks, axis=0)
    pred_labels = jnp.argmax(pred_probs, axis=1)
    return (pred_labels, pred_probs)

if __name__ == "__main__":
    import jax
    _d = setup_inputs()
    print(jax.jit(kernel)(*tuple(_d.values())))

</pallas_src>

<mosaic_0001>
#map = affine_map<(d0, d1) -> (0, 0)>
module attributes {stable_mosaic.version = 14 : i64} {
  func.func @_sc_gather(%arg0: i32, %arg1: i32, %arg2: memref<128x80xi32, #tpu.memory_space<hbm>>, %arg3: memref<100000x64xf32, #tpu.memory_space<hbm>>, %arg4: memref<10240x64xf32, #tpu.memory_space<hbm>>, %arg5: memref<128x80xi32, #tpu.memory_space<vmem>>, %arg6: memref<320x64xf32, #tpu.memory_space<vmem>>, %arg7: memref<!tpu.dma_semaphore, #tpu.memory_space<semaphore_mem>>) attributes {dimension_semantics = [#tpu.dimension_semantics<core_parallel>, #tpu.dimension_semantics<subcore_parallel>], iteration_bounds = array<i64: 2, 16>, scalar_prefetch = 0 : i64, scratch_operands = 3 : i64, tpu.core_type = #tpu.core_type<sc_vector_subcore>, window_params = [{transform_indices = #map}, {transform_indices = #map}, {transform_indices = #map}]} {
    %mul3A = arith.constant 2 : i32
    %mul3A_0 = arith.muli %arg1, %mul3A : i32
    %add3A = arith.addi %mul3A_0, %arg0 : i32
    "tpu.region"() ({
      %run_scoped3A = tpu.sem_alloc : memref<!tpu.dma_semaphore, #tpu.memory_space<semaphore_mem>>
      tpu.enqueue_dma source(%arg2 : memref<128x80xi32, #tpu.memory_space<hbm>>) target(%arg5 : memref<128x80xi32, #tpu.memory_space<vmem>>) target_semaphore(%run_scoped3A : memref<!tpu.dma_semaphore, #tpu.memory_space<semaphore_mem>>)
      tpu.wait_dma2 semaphore(%run_scoped3A : memref<!tpu.dma_semaphore, #tpu.memory_space<semaphore_mem>>) src(%arg2 : memref<128x80xi32, #tpu.memory_space<hbm>>) dst(%arg5 : memref<128x80xi32, #tpu.memory_space<vmem>>)
      tpu.yield
    }) : () -> ()
    %mul3A_1 = arith.constant 4 : i32
    %mul3A_2 = arith.muli %add3A, %mul3A_1 : i32
    %add3A_3 = arith.constant 0 : i32
    %add3A_4 = arith.addi %mul3A_2, %add3A_3 : i32
    %dma_start3A = arith.constant 0 : i32
    %dma_start3A_5 = arith.constant 0 : i32
    %dma_start3A_6 = tpu.memref_slice %arg6[%dma_start3A, %dma_start3A_5] : memref<320x64xf32, #tpu.memory_space<vmem>> -> memref<80x64xf32, #tpu.memory_space<vmem>>
    %dma_start3A_7 = arith.constant 0 : i32
    %dma_start3A_8 = tpu.memref_slice %arg5[%add3A_4, %dma_start3A_7] : memref<128x80xi32, #tpu.memory_space<vmem>> -> memref<1x80xi32, #tpu.memory_space<vmem>>
    %dma_start3A_9 = tpu.memref_squeeze %dma_start3A_8 : memref<1x80xi32, #tpu.memory_space<vmem>> -> memref<80xi32, #tpu.memory_space<vmem>>
    %dma_start3A_10 = arith.constant 0 : i32
    %dma_start3A_11 = arith.constant 0 : i32
    %dma_start3A_12 = tpu.memref_slice %arg3[%dma_start3A_10, %dma_start3A_11] : memref<100000x64xf32, #tpu.memory_space<hbm>> -> memref<100000x64xf32, #tpu.memory_space<hbm>>
    tpu.enqueue_indirect_dma source(%dma_start3A_12 : memref<100000x64xf32, #tpu.memory_space<hbm>>) target(%dma_start3A_6 : memref<80x64xf32, #tpu.memory_space<vmem>>) offsets(%dma_start3A_9 : memref<80xi32, #tpu.memory_space<vmem>>) semaphore(%arg7 : memref<!tpu.dma_semaphore, #tpu.memory_space<semaphore_mem>>)
    %mul3A_13 = arith.constant 4 : i32
    %mul3A_14 = arith.muli %add3A, %mul3A_13 : i32
    %add3A_15 = arith.constant 1 : i32
    %add3A_16 = arith.addi %mul3A_14, %add3A_15 : i32
    %dma_start3A_17 = arith.constant 80 : i32
    %dma_start3A_18 = arith.constant 0 : i32
    %dma_start3A_19 = tpu.memref_slice %arg6[%dma_start3A_17, %dma_start3A_18] : memref<320x64xf32, #tpu.memory_space<vmem>> -> memref<80x64xf32, #tpu.memory_space<vmem>>
    %dma_start3A_20 = arith.constant 0 : i32
    %dma_start3A_21 = tpu.memref_slice %arg5[%add3A_16, %dma_start3A_20] : memref<128x80xi32, #tpu.memory_space<vmem>> -> memref<1x80xi32, #tpu.memory_space<vmem>>
    %dma_start3A_22 = tpu.memref_squeeze %dma_start3A_21 : memref<1x80xi32, #tpu.memory_space<vmem>> -> memref<80xi32, #tpu.memory_space<vmem>>
    %dma_start3A_23 = arith.constant 0 : i32
    %dma_start3A_24 = arith.constant 0 : i32
    %dma_start3A_25 = tpu.memref_slice %arg3[%dma_start3A_23, %dma_start3A_24] : memref<100000x64xf32, #tpu.memory_space<hbm>> -> memref<100000x64xf32, #tpu.memory_space<hbm>>
    tpu.enqueue_indirect_dma source(%dma_start3A_25 : memref<100000x64xf32, #tpu.memory_space<hbm>>) target(%dma_start3A_19 : memref<80x64xf32, #tpu.memory_space<vmem>>) offsets(%dma_start3A_22 : memref<80xi32, #tpu.memory_space<vmem>>) semaphore(%arg7 : memref<!tpu.dma_semaphore, #tpu.memory_space<semaphore_mem>>)
    %mul3A_26 = arith.constant 4 : i32
    %mul3A_27 = arith.muli %add3A, %mul3A_26 : i32
    %add3A_28 = arith.constant 2 : i32
    %add3A_29 = arith.addi %mul3A_27, %add3A_28 : i32
    %dma_start3A_30 = arith.constant 160 : i32
    %dma_start3A_31 = arith.constant 0 : i32
    %dma_start3A_32 = tpu.memref_slice %arg6[%dma_start3A_30, %dma_start3A_31] : memref<320x64xf32, #tpu.memory_space<vmem>> -> memref<80x64xf32, #tpu.memory_space<vmem>>
    %dma_start3A_33 = arith.constant 0 : i32
    %dma_start3A_34 = tpu.memref_slice %arg5[%add3A_29, %dma_start3A_33] : memref<128x80xi32, #tpu.memory_space<vmem>> -> memref<1x80xi32, #tpu.memory_space<vmem>>
    %dma_start3A_35 = tpu.memref_squeeze %dma_start3A_34 : memref<1x80xi32, #tpu.memory_space<vmem>> -> memref<80xi32, #tpu.memory_space<vmem>>
    %dma_start3A_36 = arith.constant 0 : i32
    %dma_start3A_37 = arith.constant 0 : i32
    %dma_start3A_38 = tpu.memref_slice %arg3[%dma_start3A_36, %dma_start3A_37] : memref<100000x64xf32, #tpu.memory_space<hbm>> -> memref<100000x64xf32, #tpu.memory_space<hbm>>
    tpu.enqueue_indirect_dma source(%dma_start3A_38 : memref<100000x64xf32, #tpu.memory_space<hbm>>) target(%dma_start3A_32 : memref<80x64xf32, #tpu.memory_space<vmem>>) offsets(%dma_start3A_35 : memref<80xi32, #tpu.memory_space<vmem>>) semaphore(%arg7 : memref<!tpu.dma_semaphore, #tpu.memory_space<semaphore_mem>>)
    %mul3A_39 = arith.constant 4 : i32
    %mul3A_40 = arith.muli %add3A, %mul3A_39 : i32
    %add3A_41 = arith.constant 3 : i32
    %add3A_42 = arith.addi %mul3A_40, %add3A_41 : i32
    %dma_start3A_43 = arith.constant 240 : i32
    %dma_start3A_44 = arith.constant 0 : i32
    %dma_start3A_45 = tpu.memref_slice %arg6[%dma_start3A_43, %dma_start3A_44] : memref<320x64xf32, #tpu.memory_space<vmem>> -> memref<80x64xf32, #tpu.memory_space<vmem>>
    %dma_start3A_46 = arith.constant 0 : i32
    %dma_start3A_47 = tpu.memref_slice %arg5[%add3A_42, %dma_start3A_46] : memref<128x80xi32, #tpu.memory_space<vmem>> -> memref<1x80xi32, #tpu.memory_space<vmem>>
    %dma_start3A_48 = tpu.memref_squeeze %dma_start3A_47 : memref<1x80xi32, #tpu.memory_space<vmem>> -> memref<80xi32, #tpu.memory_space<vmem>>
    %dma_start3A_49 = arith.constant 0 : i32
    %dma_start3A_50 = arith.constant 0 : i32
    %dma_start3A_51 = tpu.memref_slice %arg3[%dma_start3A_49, %dma_start3A_50] : memref<100000x64xf32, #tpu.memory_space<hbm>> -> memref<100000x64xf32, #tpu.memory_space<hbm>>
    tpu.enqueue_indirect_dma source(%dma_start3A_51 : memref<100000x64xf32, #tpu.memory_space<hbm>>) target(%dma_start3A_45 : memref<80x64xf32, #tpu.memory_space<vmem>>) offsets(%dma_start3A_48 : memref<80xi32, #tpu.memory_space<vmem>>) semaphore(%arg7 : memref<!tpu.dma_semaphore, #tpu.memory_space<semaphore_mem>>)
    %dma_wait3A = arith.constant 0 : i32
    %dma_wait3A_52 = arith.constant 0 : i32
    %dma_wait3A_53 = tpu.memref_slice %arg6[%dma_wait3A, %dma_wait3A_52] : memref<320x64xf32, #tpu.memory_space<vmem>> -> memref<80x64xf32, #tpu.memory_space<vmem>>
    %dma_wait3A_54 = arith.constant 0 : i32
    %dma_wait3A_55 = tpu.memref_slice %arg5[%add3A_4, %dma_wait3A_54] : memref<128x80xi32, #tpu.memory_space<vmem>> -> memref<1x80xi32, #tpu.memory_space<vmem>>
    %dma_wait3A_56 = tpu.memref_squeeze %dma_wait3A_55 : memref<1x80xi32, #tpu.memory_space<vmem>> -> memref<80xi32, #tpu.memory_space<vmem>>
    %dma_wait3A_57 = arith.constant 0 : i32
    %dma_wait3A_58 = arith.constant 0 : i32
    %dma_wait3A_59 = tpu.memref_slice %arg3[%dma_wait3A_57, %dma_wait3A_58] : memref<100000x64xf32, #tpu.memory_space<hbm>> -> memref<100000x64xf32, #tpu.memory_space<hbm>>
    tpu.wait_indirect_dma semaphore(%arg7 : memref<!tpu.dma_semaphore, #tpu.memory_space<semaphore_mem>>) src(%dma_wait3A_59 : memref<100000x64xf32, #tpu.memory_space<hbm>>) dst(%dma_wait3A_53 : memref<80x64xf32, #tpu.memory_space<vmem>>)
    %dma_wait3A_60 = arith.constant 80 : i32
    %dma_wait3A_61 = arith.constant 0 : i32
    %dma_wait3A_62 = tpu.memref_slice %arg6[%dma_wait3A_60, %dma_wait3A_61] : memref<320x64xf32, #tpu.memory_space<vmem>> -> memref<80x64xf32, #tpu.memory_space<vmem>>
    %dma_wait3A_63 = arith.constant 0 : i32
    %dma_wait3A_64 = tpu.memref_slice %arg5[%add3A_16, %dma_wait3A_63] : memref<128x80xi32, #tpu.memory_space<vmem>> -> memref<1x80xi32, #tpu.memory_space<vmem>>
    %dma_wait3A_65 = tpu.memref_squeeze %dma_wait3A_64 : memref<1x80xi32, #tpu.memory_space<vmem>> -> memref<80xi32, #tpu.memory_space<vmem>>
    %dma_wait3A_66 = arith.constant 0 : i32
    %dma_wait3A_67 = arith.constant 0 : i32
    %dma_wait3A_68 = tpu.memref_slice %arg3[%dma_wait3A_66, %dma_wait3A_67] : memref<100000x64xf32, #tpu.memory_space<hbm>> -> memref<100000x64xf32, #tpu.memory_space<hbm>>
    tpu.wait_indirect_dma semaphore(%arg7 : memref<!tpu.dma_semaphore, #tpu.memory_space<semaphore_mem>>) src(%dma_wait3A_68 : memref<100000x64xf32, #tpu.memory_space<hbm>>) dst(%dma_wait3A_62 : memref<80x64xf32, #tpu.memory_space<vmem>>)
    %dma_wait3A_69 = arith.constant 160 : i32
    %dma_wait3A_70 = arith.constant 0 : i32
    %dma_wait3A_71 = tpu.memref_slice %arg6[%dma_wait3A_69, %dma_wait3A_70] : memref<320x64xf32, #tpu.memory_space<vmem>> -> memref<80x64xf32, #tpu.memory_space<vmem>>
    %dma_wait3A_72 = arith.constant 0 : i32
    %dma_wait3A_73 = tpu.memref_slice %arg5[%add3A_29, %dma_wait3A_72] : memref<128x80xi32, #tpu.memory_space<vmem>> -> memref<1x80xi32, #tpu.memory_space<vmem>>
    %dma_wait3A_74 = tpu.memref_squeeze %dma_wait3A_73 : memref<1x80xi32, #tpu.memory_space<vmem>> -> memref<80xi32, #tpu.memory_space<vmem>>
    %dma_wait3A_75 = arith.constant 0 : i32
    %dma_wait3A_76 = arith.constant 0 : i32
    %dma_wait3A_77 = tpu.memref_slice %arg3[%dma_wait3A_75, %dma_wait3A_76] : memref<100000x64xf32, #tpu.memory_space<hbm>> -> memref<100000x64xf32, #tpu.memory_space<hbm>>
    tpu.wait_indirect_dma semaphore(%arg7 : memref<!tpu.dma_semaphore, #tpu.memory_space<semaphore_mem>>) src(%dma_wait3A_77 : memref<100000x64xf32, #tpu.memory_space<hbm>>) dst(%dma_wait3A_71 : memref<80x64xf32, #tpu.memory_space<vmem>>)
    %dma_wait3A_78 = arith.constant 240 : i32
    %dma_wait3A_79 = arith.constant 0 : i32
    %dma_wait3A_80 = tpu.memref_slice %arg6[%dma_wait3A_78, %dma_wait3A_79] : memref<320x64xf32, #tpu.memory_space<vmem>> -> memref<80x64xf32, #tpu.memory_space<vmem>>
    %dma_wait3A_81 = arith.constant 0 : i32
    %dma_wait3A_82 = tpu.memref_slice %arg5[%add3A_42, %dma_wait3A_81] : memref<128x80xi32, #tpu.memory_space<vmem>> -> memref<1x80xi32, #tpu.memory_space<vmem>>
    %dma_wait3A_83 = tpu.memref_squeeze %dma_wait3A_82 : memref<1x80xi32, #tpu.memory_space<vmem>> -> memref<80xi32, #tpu.memory_space<vmem>>
    %dma_wait3A_84 = arith.constant 0 : i32
    %dma_wait3A_85 = arith.constant 0 : i32
    %dma_wait3A_86 = tpu.memref_slice %arg3[%dma_wait3A_84, %dma_wait3A_85] : memref<100000x64xf32, #tpu.memory_space<hbm>> -> memref<100000x64xf32, #tpu.memory_space<hbm>>
    tpu.wait_indirect_dma semaphore(%arg7 : memref<!tpu.dma_semaphore, #tpu.memory_space<semaphore_mem>>) src(%dma_wait3A_86 : memref<100000x64xf32, #tpu.memory_space<hbm>>) dst(%dma_wait3A_80 : memref<80x64xf32, #tpu.memory_space<vmem>>)
    %mul3A_87 = arith.constant 320 : i32
    %mul3A_88 = arith.muli %add3A, %mul3A_87 : i32
    "tpu.region"() ({
      %run_scoped3A = tpu.sem_alloc : memref<!tpu.dma_semaphore, #tpu.memory_space<semaphore_mem>>
      %dma_start3A_89 = arith.constant 0 : i32
      %dma_start3A_90 = tpu.memref_slice %arg4[%mul3A_88, %dma_start3A_89] : memref<10240x64xf32, #tpu.memory_space<hbm>> -> memref<320x64xf32, #tpu.memory_space<hbm>>
      %dma_start3A_91 = arith.constant 0 : i32
      %dma_start3A_92 = tpu.memref_slice %arg4[%mul3A_88, %dma_start3A_91] : memref<10240x64xf32, #tpu.memory_space<hbm>> -> memref<320x64xf32, #tpu.memory_space<hbm>>
      tpu.enqueue_dma source(%arg6 : memref<320x64xf32, #tpu.memory_space<vmem>>) target(%dma_start3A_92 : memref<320x64xf32, #tpu.memory_space<hbm>>) target_semaphore(%run_scoped3A : memref<!tpu.dma_semaphore, #tpu.memory_space<semaphore_mem>>)
      %dma_wait3A_93 = arith.constant 0 : i32
      %dma_wait3A_94 = tpu.memref_slice %arg4[%mul3A_88, %dma_wait3A_93] : memref<10240x64xf32, #tpu.memory_space<hbm>> -> memref<320x64xf32, #tpu.memory_space<hbm>>
      %dma_wait3A_95 = arith.constant 0 : i32
      %dma_wait3A_96 = tpu.memref_slice %arg4[%mul3A_88, %dma_wait3A_95] : memref<10240x64xf32, #tpu.memory_space<hbm>> -> memref<320x64xf32, #tpu.memory_space<hbm>>
      tpu.wait_dma2 semaphore(%run_scoped3A : memref<!tpu.dma_semaphore, #tpu.memory_space<semaphore_mem>>) src(%arg6 : memref<320x64xf32, #tpu.memory_space<vmem>>) dst(%dma_wait3A_96 : memref<320x64xf32, #tpu.memory_space<hbm>>)
      tpu.yield
    }) : () -> ()
    return
  }
}

module attributes {stable_mosaic.version = 14 : i64} {
  func.func @_topk_body(%arg0: i32, %arg1: i32, %arg2: memref<128x128xf32, #tpu.memory_space<vmem>>, %arg3: memref<512x128xf32, #tpu.memory_space<vmem>>, %arg4: memref<16x128xi32, #tpu.memory_space<vmem>>, %arg5: memref<8x16x128xf32, #tpu.memory_space<vmem>>, %arg6: memref<8x16x128xf32, #tpu.memory_space<vmem>>, %arg7: memref<16x128xf32, #tpu.memory_space<vmem>>, %arg8: memref<16x128xf32, #tpu.memory_space<vmem>>, %arg9: memref<512x128xf32, #tpu.memory_space<vmem>>) attributes {dimension_semantics = [#tpu.dimension_semantics<arbitrary>, #tpu.dimension_semantics<arbitrary>], iteration_bounds = array<i64: 196, 8>, scalar_prefetch = 0 : i64, scratch_operands = 5 : i64, tpu.core_type = #tpu.core_type<tc>, window_params = [{transform_indices = @transform_0, window_bounds = array<i64: 128, 128>}, {transform_indices = @transform_1, window_bounds = array<i64: 512, 128>}, {transform_indices = @transform_2, window_bounds = array<i64: 16, 128>}]} {
    %eq3A = arith.constant 0 : i32
    %eq3A_0 = arith.cmpi eq, %arg0, %eq3A : i32
    %convert_element_type3A = arith.extui %eq3A_0 : i1 to i32
    %cond3A = arith.constant 0 : i32
    %cond3A_1 = arith.cmpi ne, %convert_element_type3A, %cond3A : i32
    scf.if %cond3A_1 {
      %broadcast_in_dim3A_744 = arith.constant 0x7F800000 : f32
      %broadcast_in_dim3A_745 = vector.broadcast %broadcast_in_dim3A_744 : f32 to vector<16x128xf32>
      %swap3A_746 = arith.index_cast %arg1 : i32 to index
      %swap3A_747 = arith.constant 0 : index
      %swap3A_748 = arith.constant 0 : index
      %swap3A_749 = vector.load %arg5[%swap3A_746, %swap3A_747, %swap3A_748] : memref<8x16x128xf32, #tpu.memory_space<vmem>>, vector<1x16x128xf32>
      %swap3A_750 = vector.shape_cast %swap3A_749 : vector<1x16x128xf32> to vector<16x128xf32>
      %swap3A_751 = vector.shape_cast %broadcast_in_dim3A_745 : vector<16x128xf32> to vector<1x16x128xf32>
      tpu.vector_store %arg5[%swap3A_746, %swap3A_747, %swap3A_748], %swap3A_751 {strides = array<i32>} : memref<8x16x128xf32, #tpu.memory_space<vmem>>, vector<1x16x128xf32>,
      %broadcast_in_dim3A_752 = arith.constant 1.000000e+30 : f32
      %broadcast_in_dim3A_753 = vector.broadcast %broadcast_in_dim3A_752 : f32 to vector<16x128xf32>
      %swap3A_754 = arith.index_cast %arg1 : i32 to index
      %swap3A_755 = arith.constant 0 : index
      %swap3A_756 = arith.constant 0 : index
      %swap3A_757 = vector.load %arg6[%swap3A_754, %swap3A_755, %swap3A_756] : memref<8x16x128xf32, #tpu.memory_space<vmem>>, vector<1x16x128xf32>
      %swap3A_758 = vector.shape_cast %swap3A_757 : vector<1x16x128xf32> to vector<16x128xf32>
      %swap3A_759 = vector.shape_cast %broadcast_in_dim3A_753 : vector<16x128xf32> to vector<1x16x128xf32>
      tpu.vector_store %arg6[%swap3A_754, %swap3A_755, %swap3A_756], %swap3A_759 {strides = array<i32>} : memref<8x16x128xf32, #tpu.memory_space<vmem>>, vector<1x16x128xf32>,
    } else {
    }
    %get3A = arith.constant 0 : index
    %get3A_2 = arith.constant 0 : index
    %get3A_3 = vector.load %arg2[%get3A, %get3A_2] : memref<128x128xf32, #tpu.memory_space<vmem>>, vector<128x128xf32>
    %get3A_4 = arith.constant 0 : index
    %get3A_5 = arith.constant 0 : index
    %get3A_6 = vector.load %arg3[%get3A_4, %get3A_5] : memref<512x128xf32, #tpu.memory_space<vmem>>, vector<512x128xf32>
    %mul3A = arith.mulf %get3A_6, %get3A_6 : vector<512x128xf32>
    %reduce_sum3A = arith.constant dense<0.000000e+00> : vector<512xf32>
    %reduce_sum3A_7 = vector.multi_reduction <add>, %mul3A, %reduce_sum3A [1] : vector<512x128xf32> to vector<512xf32>
    %broadcast_in_dim3A = vector.shape_cast %reduce_sum3A_7 : vector<512xf32> to vector<512x1xf32>
    %dot_general3A = arith.constant dense<0.000000e+00> : vector<512x128xf32>
    %dot_general3A_8 = tpu.matmul %get3A_6, %get3A_3, %dot_general3A {dimension_numbers = #tpu.dot_dimension_numbers<[1], [1], [0], [0], [0, 0, 1, 0], [], []>, transpose_lhs_hint = false} : vector<512x128xf32>, vector<128x128xf32>, vector<512x128xf32> -> vector<512x128xf32>
    %iota3A = tpu.iota {dimensions = array<i32: 0>} : vector<512x128xi32>
    %convert_element_type3A_9 = arith.sitofp %iota3A : vector<512x128xi32> to vector<512x128xf32>
    %mul3A_10 = arith.constant 512 : i32
    %mul3A_11 = arith.muli %arg0, %mul3A_10 : i32
    %convert_element_type3A_12 = arith.sitofp %mul3A_11 : i32 to f32
    %add3A = vector.broadcast %convert_element_type3A_12 : f32 to vector<512x128xf32>
    %add3A_13 = arith.addf %convert_element_type3A_9, %add3A : vector<512x128xf32>
    %lt3A = arith.constant 1.000000e+05 : f32
    %lt3A_14 = vector.broadcast %lt3A : f32 to vector<512x128xf32>
    %lt3A_15 = arith.cmpf olt, %add3A_13, %lt3A_14 : vector<512x128xf32>
    %mul3A_16 = arith.constant 2.000000e+00 : f32
    %mul3A_17 = vector.broadcast %mul3A_16 : f32 to vector<512x128xf32>
    %mul3A_18 = arith.mulf %mul3A_17, %dot_general3A_8 : vector<512x128xf32>
    %sub3A = vector.broadcast %broadcast_in_dim3A : vector<512x1xf32> to vector<512x128xf32>
    %sub3A_19 = arith.subf %sub3A, %mul3A_18 : vector<512x128xf32>
    %jit3A = arith.constant 0x7F800000 : f32
    %broadcast_in_dim3A_20 = vector.broadcast %jit3A : f32 to vector<512x128xf32>
    %select_n3A = arith.select %lt3A_15, %sub3A_19, %broadcast_in_dim3A_20 : vector<512x128xi1>, vector<512x128xf32>
    %swap3A = arith.constant 0 : index
    %swap3A_21 = arith.constant 0 : index
    %swap3A_22 = vector.load %arg9[%swap3A, %swap3A_21] : memref<512x128xf32, #tpu.memory_space<vmem>>, vector<512x128xf32>
    tpu.vector_store %arg9[%swap3A, %swap3A_21], %select_n3A {strides = array<i32>} : memref<512x128xf32, #tpu.memory_space<vmem>>, vector<512x128xf32>,
    %broadcast_in_dim3A_23 = arith.constant 0x7F800000 : f32
    %broadcast_in_dim3A_24 = vector.broadcast %broadcast_in_dim3A_23 : f32 to vector<16x128xf32>
    %swap3A_25 = arith.constant 0 : index
    %swap3A_26 = arith.constant 0 : index
    %swap3A_27 = vector.load %arg7[%swap3A_25, %swap3A_26] : memref<16x128xf32, #tpu.memory_space<vmem>>, vector<16x128xf32>
    tpu.vector_store %arg7[%swap3A_25, %swap3A_26], %broadcast_in_dim3A_24 {strides = array<i32>} : memref<16x128xf32, #tpu.memory_space<vmem>>, vector<16x128xf32>,
    %broadcast_in_dim3A_28 = arith.constant 1.000000e+30 : f32
    %broadcast_in_dim3A_29 = vector.broadcast %broadcast_in_dim3A_28 : f32 to vector<16x128xf32>
    %swap3A_30 = arith.constant 0 : index
    %swap3A_31 = arith.constant 0 : index
    %swap3A_32 = vector.load %arg8[%swap3A_30, %swap3A_31] : memref<16x128xf32, #tpu.memory_space<vmem>>, vector<16x128xf32>
    tpu.vector_store %arg8[%swap3A_30, %swap3A_31], %broadcast_in_dim3A_29 {strides = array<i32>} : memref<16x128xf32, #tpu.memory_space<vmem>>, vector<16x128xf32>,
    %get3A_33 = arith.constant 0 : index
    %get3A_34 = arith.constant 0 : index
    %get3A_35 = vector.load %arg9[%get3A_33, %get3A_34] : memref<512x128xf32, #tpu.memory_space<vmem>>, vector<512x128xf32>
    %reduce_min3A = arith.constant dense<0x7F800000> : vector<128xf32>
    %reduce_min3A_36 = vector.multi_reduction <minimumf>, %get3A_35, %reduce_min3A [0] : vector<512x128xf32> to vector<128xf32>
    %broadcast_in_dim3A_37 = vector.shape_cast %reduce_min3A_36 : vector<128xf32> to vector<1x128xf32>
    %eq3A_38 = vector.broadcast %broadcast_in_dim3A_37 : vector<1x128xf32> to vector<512x128xf32>
    %eq3A_39 = arith.cmpf oeq, %get3A_35, %eq3A_38 : vector<512x128xf32>
    %jit3A_40 = arith.constant 1.000000e+30 : f32
    %broadcast_in_dim3A_41 = vector.broadcast %jit3A_40 : f32 to vector<512x128xf32>
    %select_n3A_42 = arith.select %eq3A_39, %add3A_13, %broadcast_in_dim3A_41 : vector<512x128xi1>, vector<512x128xf32>
    %reduce_min3A_43 = arith.constant dense<0x7F800000> : vector<128xf32>
    %reduce_min3A_44 = vector.multi_reduction <minimumf>, %select_n3A_42, %reduce_min3A_43 [0] : vector<512x128xf32> to vector<128xf32>
    %broadcast_in_dim3A_45 = vector.shape_cast %reduce_min3A_44 : vector<128xf32> to vector<1x128xf32>
    %get3A_46 = arith.index_cast %arg1 : i32 to index
    %get3A_47 = arith.constant 0 : index
    %get3A_48 = arith.constant 0 : index
    %get3A_49 = vector.load %arg5[%get3A_46, %get3A_47, %get3A_48] : memref<8x16x128xf32, #tpu.memory_space<vmem>>, vector<1x16x128xf32>
    %get3A_50 = vector.shape_cast %get3A_49 : vector<1x16x128xf32> to vector<16x128xf32>
    %get3A_51 = arith.index_cast %arg1 : i32 to index
    %get3A_52 = arith.constant 0 : index
    %get3A_53 = arith.constant 0 : index
    %get3A_54 = vector.load %arg6[%get3A_51, %get3A_52, %get3A_53] : memref<8x16x128xf32, #tpu.memory_space<vmem>>, vector<1x16x128xf32>
    %get3A_55 = vector.shape_cast %get3A_54 : vector<1x16x128xf32> to vector<16x128xf32>
    %reduce_min3A_56 = arith.constant dense<0x7F800000> : vector<128xf32>
    %reduce_min3A_57 = vector.multi_reduction <minimumf>, %get3A_50, %reduce_min3A_56 [0] : vector<16x128xf32> to vector<128xf32>
    %broadcast_in_dim3A_58 = vector.shape_cast %reduce_min3A_57 : vector<128xf32> to vector<1x128xf32>
    %le3A = arith.cmpf ole, %broadcast_in_dim3A_58, %broadcast_in_dim3A_37 : vector<1x128xf32>
    %eq3A_59 = vector.broadcast %broadcast_in_dim3A_58 : vector<1x128xf32> to vector<16x128xf32>
    %eq3A_60 = arith.cmpf oeq, %get3A_50, %eq3A_59 : vector<16x128xf32>
    %jit3A_61 = arith.constant 1.000000e+30 : f32
    %broadcast_in_dim3A_62 = vector.broadcast %jit3A_61 : f32 to vector<16x128xf32>
    %select_n3A_63 = arith.select %eq3A_60, %get3A_55, %broadcast_in_dim3A_62 : vector<16x128xi1>, vector<16x128xf32>
    %reduce_min3A_64 = arith.constant dense<0x7F800000> : vector<128xf32>
    %reduce_min3A_65 = vector.multi_reduction <minimumf>, %select_n3A_63, %reduce_min3A_64 [0] : vector<16x128xf32> to vector<128xf32>
    %broadcast_in_dim3A_66 = vector.shape_cast %reduce_min3A_65 : vector<128xf32> to vector<1x128xf32>
    %select_n3A_67 = arith.select %le3A, %broadcast_in_dim3A_58, %broadcast_in_dim3A_37 : vector<1x128xi1>, vector<1x128xf32>
    %swap3A_68 = arith.constant 0 : index
    %swap3A_69 = arith.constant 0 : index
    %swap3A_70 = vector.load %arg7[%swap3A_68, %swap3A_69] : memref<16x128xf32, #tpu.memory_space<vmem>>, vector<1x128xf32>
    tpu.vector_store %arg7[%swap3A_68, %swap3A_69], %select_n3A_67 {strides = array<i32>} : memref<16x128xf32, #tpu.memory_space<vmem>>, vector<1x128xf32>,
    %select_n3A_71 = arith.select %le3A, %broadcast_in_dim3A_66, %broadcast_in_dim3A_45 : vector<1x128xi1>, vector<1x128xf32>
    %swap3A_72 = arith.constant 0 : index
    %swap3A_73 = arith.constant 0 : index
    %swap3A_74 = vector.load %arg8[%swap3A_72, %swap3A_73] : memref<16x128xf32, #tpu.memory_space<vmem>>, vector<1x128xf32>
    tpu.vector_store %arg8[%swap3A_72, %swap3A_73], %select_n3A_71 {strides = array<i32>} : memref<16x128xf32, #tpu.memory_space<vmem>>, vector<1x128xf32>,
    %jit3A_75 = arith.constant -1.000000e+00 : f32
    %broadcast_in_dim3A_76 = vector.broadcast %jit3A_75 : f32 to vector<1x128xf32>
    %select_n3A_77 = arith.select %le3A, %broadcast_in_dim3A_76, %broadcast_in_dim3A_45 : vector<1x128xi1>, vector<1x128xf32>
    %jit3A_78 = arith.constant -1.000000e+00 : f32
    %broadcast_in_dim3A_79 = vector.broadcast %jit3A_78 : f32 to vector<1x128xf32>
    %select_n3A_80 = arith.select %le3A, %broadcast_in_dim3A_66, %broadcast_in_dim3A_79 : vector<1x128xi1>, vector<1x128xf32>
    %eq3A_81 = vector.broadcast %select_n3A_77 : vector<1x128xf32> to vector<512x128xf32>
    %eq3A_82 = arith.cmpf oeq, %add3A_13, %eq3A_81 : vector<512x128xf32>
    %jit3A_83 = arith.constant 0x7F800000 : f32
    %broadcast_in_dim3A_84 = vector.broadcast %jit3A_83 : f32 to vector<512x128xf32>
    %select_n3A_85 = arith.select %eq3A_82, %broadcast_in_dim3A_84, %get3A_35 : vector<512x128xi1>, vector<512x128xf32>
    %swap3A_86 = arith.constant 0 : index
    %swap3A_87 = arith.constant 0 : index
    %swap3A_88 = vector.load %arg9[%swap3A_86, %swap3A_87] : memref<512x128xf32, #tpu.memory_space<vmem>>, vector<512x128xf32>
    tpu.vector_store %arg9[%swap3A_86, %swap3A_87], %select_n3A_85 {strides = array<i32>} : memref<512x128xf32, #tpu.memory_space<vmem>>, vector<512x128xf32>,
    %eq3A_89 = vector.broadcast %select_n3A_80 : vector<1x128xf32> to vector<16x128xf32>
    %eq3A_90 = arith.cmpf oeq, %get3A_55, %eq3A_89 : vector<16x128xf32>
    %jit3A_91 = arith.constant 0x7F800000 : f32
    %broadcast_in_dim3A_92 = vector.broadcast %jit3A_91 : f32 to vector<16x128xf32>
    %select_n3A_93 = arith.select %eq3A_90, %broadcast_in_dim3A_92, %get3A_50 : vector<16x128xi1>, vector<16x128xf32>
    %swap3A_94 = arith.index_cast %arg1 : i32 to index
    %swap3A_95 = arith.constant 0 : index
    %swap3A_96 = arith.constant 0 : index
    %swap3A_97 = vector.load %arg5[%swap3A_94, %swap3A_95, %swap3A_96] : memref<8x16x128xf32, #tpu.memory_space<vmem>>, vector<1x16x128xf32>
    %swap3A_98 = vector.shape_cast %swap3A_97 : vector<1x16x128xf32> to vector<16x128xf32>
    %swap3A_99 = vector.shape_cast %select_n3A_93 : vector<16x128xf32> to vector<1x16x128xf32>
    tpu.vector_store %arg5[%swap3A_94, %swap3A_95, %swap3A_96], %swap3A_99 {strides = array<i32>} : memref<8x16x128xf32, #tpu.memory_space<vmem>>, vector<1x16x128xf32>,
    %get3A_100 = arith.constant 0 : index
    %get3A_101 = arith.constant 0 : index
    %get3A_102 = vector.load %arg9[%get3A_100, %get3A_101] : memref<512x128xf32, #tpu.memory_space<vmem>>, vector<512x128xf32>
    %reduce_min3A_103 = arith.constant dense<0x7F800000> : vector<128xf32>
    %reduce_min3A_104 = vector.multi_reduction <minimumf>, %get3A_102, %reduce_min3A_103 [0] : vector<512x128xf32> to vector<128xf32>
    %broadcast_in_dim3A_105 = vector.shape_cast %reduce_min3A_104 : vector<128xf32> to vector<1x128xf32>
    %eq3A_106 = vector.broadcast %broadcast_in_dim3A_105 : vector<1x128xf32> to vector<512x128xf32>
    %eq3A_107 = arith.cmpf oeq, %get3A_102, %eq3A_106 : vector<512x128xf32>
    %jit3A_108 = arith.constant 1.000000e+30 : f32
    %broadcast_in_dim3A_109 = vector.broadcast %jit3A_108 : f32 to vector<512x128xf32>
    %select_n3A_110 = arith.select %eq3A_107, %add3A_13, %broadcast_in_dim3A_109 : vector<512x128xi1>, vector<512x128xf32>
    %reduce_min3A_111 = arith.constant dense<0x7F800000> : vector<128xf32>
    %reduce_min3A_112 = vector.multi_reduction <minimumf>, %select_n3A_110, %reduce_min3A_111 [0] : vector<512x128xf32> to vector<128xf32>
    %broadcast_in_dim3A_113 = vector.shape_cast %reduce_min3A_112 : vector<128xf32> to vector<1x128xf32>
    %get3A_114 = arith.index_cast %arg1 : i32 to index
    %get3A_115 = arith.constant 0 : index
    %get3A_116 = arith.constant 0 : index
    %get3A_117 = vector.load %arg5[%get3A_114, %get3A_115, %get3A_116] : memref<8x16x128xf32, #tpu.memory_space<vmem>>, vector<1x16x128xf32>
    %get3A_118 = vector.shape_cast %get3A_117 : vector<1x16x128xf32> to vector<16x128xf32>
    %get3A_119 = arith.index_cast %arg1 : i32 to index
    %get3A_120 = arith.constant 0 : index
    %get3A_121 = arith.constant 0 : index
    %get3A_122 = vector.load %arg6[%get3A_119, %get3A_120, %get3A_121] : memref<8x16x128xf32, #tpu.memory_space<vmem>>, vector<1x16x128xf32>
    %get3A_123 = vector.shape_cast %get3A_122 : vector<1x16x128xf32> to vector<16x128xf32>
    %reduce_min3A_124 = arith.constant dense<0x7F800000> : vector<128xf32>
    %reduce_min3A_125 = vector.multi_reduction <minimumf>, %get3A_118, %reduce_min3A_124 [0] : vector<16x128xf32> to vector<128xf32>
    %broadcast_in_dim3A_126 = vector.shape_cast %reduce_min3A_125 : vector<128xf32> to vector<1x128xf32>
    %le3A_127 = arith.cmpf ole, %broadcast_in_dim3A_126, %broadcast_in_dim3A_105 : vector<1x128xf32>
    %eq3A_128 = vector.broadcast %broadcast_in_dim3A_126 : vector<1x128xf32> to vector<16x128xf32>
    %eq3A_129 = arith.cmpf oeq, %get3A_118, %eq3A_128 : vector<16x128xf32>
    %jit3A_130 = arith.constant 1.000000e+30 : f32
    %broadcast_in_dim3A_131 = vector.broadcast %jit3A_130 : f32 to vector<16x128xf32>
    %select_n3A_132 = arith.select %eq3A_129, %get3A_123, %broadcast_in_dim3A_131 : vector<16x128xi1>, vector<16x128xf32>
    %reduce_min3A_133 = arith.constant dense<0x7F800000> : vector<128xf32>
    %reduce_min3A_134 = vector.multi_reduction <minimumf>, %select_n3A_132, %reduce_min3A_133 [0] : vector<16x128xf32> to vector<128xf32>
    %broadcast_in_dim3A_135 = vector.shape_cast %reduce_min3A_134 : vector<128xf32> to vector<1x128xf32>
    %select_n3A_136 = arith.select %le3A_127, %broadcast_in_dim3A_126, %broadcast_in_dim3A_105 : vector<1x128xi1>, vector<1x128xf32>
    %swap3A_137 = arith.constant 1 : index
    %swap3A_138 = arith.constant 0 : index
    %swap3A_139 = vector.load %arg7[%swap3A_137, %swap3A_138] : memref<16x128xf32, #tpu.memory_space<vmem>>, vector<1x128xf32>
    tpu.vector_store %arg7[%swap3A_137, %swap3A_138], %select_n3A_136 {strides = array<i32>} : memref<16x128xf32, #tpu.memory_space<vmem>>, vector<1x128xf32>,
    %select_n3A_140 = arith.select %le3A_127, %broadcast_in_dim3A_135, %broadcast_in_dim3A_113 : vector<1x128xi1>, vector<1x128xf32>
    %swap3A_141 = arith.constant 1 : index
    %swap3A_142 = arith.constant 0 : index
    %swap3A_143 = vector.load %arg8[%swap3A_141, %swap3A_142] : memref<16x128xf32, #tpu.memory_space<vmem>>, vector<1x128xf32>
    tpu.vector_store %arg8[%swap3A_141, %swap3A_142], %select_n3A_140 {strides = array<i32>} : memref<16x128xf32, #tpu.memory_space<vmem>>, vector<1x128xf32>,
    %jit3A_144 = arith.constant -1.000000e+00 : f32
    %broadcast_in_dim3A_145 = vector.broadcast %jit3A_144 : f32 to vector<1x128xf32>
    %select_n3A_146 = arith.select %le3A_127, %broadcast_in_dim3A_145, %broadcast_in_dim3A_113 : vector<1x128xi1>, vector<1x128xf32>
    %jit3A_147 = arith.constant -1.000000e+00 : f32
    %broadcast_in_dim3A_148 = vector.broadcast %jit3A_147 : f32 to vector<1x128xf32>
    %select_n3A_149 = arith.select %le3A_127, %broadcast_in_dim3A_135, %broadcast_in_dim3A_148 : vector<1x128xi1>, vector<1x128xf32>
    %eq3A_150 = vector.broadcast %select_n3A_146 : vector<1x128xf32> to vector<512x128xf32>
    %eq3A_151 = arith.cmpf oeq, %add3A_13, %eq3A_150 : vector<512x128xf32>
    %jit3A_152 = arith.constant 0x7F800000 : f32
    %broadcast_in_dim3A_153 = vector.broadcast %jit3A_152 : f32 to vector<512x128xf32>
    %select_n3A_154 = arith.select %eq3A_151, %broadcast_in_dim3A_153, %get3A_102 : vector<512x128xi1>, vector<512x128xf32>
    %swap3A_155 = arith.constant 0 : index
    %swap3A_156 = arith.constant 0 : index
    %swap3A_157 = vector.load %arg9[%swap3A_155, %swap3A_156] : memref<512x128xf32, #tpu.memory_space<vmem>>, vector<512x128xf32>
    tpu.vector_store %arg9[%swap3A_155, %swap3A_156], %select_n3A_154 {strides = array<i32>} : memref<512x128xf32, #tpu.memory_space<vmem>>, vector<512x128xf32>,
    %eq3A_158 = vector.broadcast %select_n3A_149 : vector<1x128xf32> to vector<16x128xf32>
    %eq3A_159 = arith.cmpf oeq, %get3A_123, %eq3A_158 : vector<16x128xf32>
    %jit3A_160 = arith.constant 0x7F800000 : f32
    %broadcast_in_dim3A_161 = vector.broadcast %jit3A_160 : f32 to vector<16x128xf32>
    %select_n3A_162 = arith.select %eq3A_159, %broadcast_in_dim3A_161, %get3A_118 : vector<16x128xi1>, vector<16x128xf32>
    %swap3A_163 = arith.index_cast %arg1 : i32 to index
    %swap3A_164 = arith.constant 0 : index
    %swap3A_165 = arith.constant 0 : index
    %swap3A_166 = vector.load %arg5[%swap3A_163, %swap3A_164, %swap3A_165] : memref<8x16x128xf32, #tpu.memory_space<vmem>>, vector<1x16x128xf32>
    %swap3A_167 = vector.shape_cast %swap3A_166 : vector<1x16x128xf32> to vector<16x128xf32>
    %swap3A_168 = vector.shape_cast %select_n3A_162 : vector<16x128xf32> to vector<1x16x128xf32>
    tpu.vector_store %arg5[%swap3A_163, %swap3A_164, %swap3A_165], %swap3A_168 {strides = array<i32>} : memref<8x16x128xf32, #tpu.memory_space<vmem>>, vector<1x16x128xf32>,
    %get3A_169 = arith.constant 0 : index
    %get3A_170 = arith.constant 0 : index
    %get3A_171 = vector.load %arg9[%get3A_169, %get3A_170] : memref<512x128xf32, #tpu.memory_space<vmem>>, vector<512x128xf32>
    %reduce_min3A_172 = arith.constant dense<0x7F800000> : vector<128xf32>
    %reduce_min3A_173 = vector.multi_reduction <minimumf>, %get3A_171, %reduce_min3A_172 [0] : vector<512x128xf32> to vector<128xf32>
    %broadcast_in_dim3A_174 = vector.shape_cast %reduce_min3A_173 : vector<128xf32> to vector<1x128xf32>
    %eq3A_175 = vector.broadcast %broadcast_in_dim3A_174 : vector<1x128xf32> to vector<512x128xf32>
    %eq3A_176 = arith.cmpf oeq, %get3A_171, %eq3A_175 : vector<512x128xf32>
    %jit3A_177 = arith.constant 1.000000e+30 : f32
    %broadcast_in_dim3A_178 = vector.broadcast %jit3A_177 : f32 to vector<512x128xf32>
    %select_n3A_179 = arith.select %eq3A_176, %add3A_13, %broadcast_in_dim3A_178 : vector<512x128xi1>, vector<512x128xf32>
    %reduce_min3A_180 = arith.constant dense<0x7F800000> : vector<128xf32>
    %reduce_min3A_181 = vector.multi_reduction <minimumf>, %select_n3A_179, %reduce_min3A_180 [0] : vector<512x128xf32> to vector<128xf32>
    %broadcast_in_dim3A_182 = vector.shape_cast %reduce_min3A_181 : vector<128xf32> to vector<1x128xf32>
    %get3A_183 = arith.index_cast %arg1 : i32 to index
    %get3A_184 = arith.constant 0 : index
    %get3A_185 = arith.constant 0 : index
    %get3A_186 = vector.load %arg5[%get3A_183, %get3A_184, %get3A_185] : memref<8x16x128xf32, #tpu.memory_space<vmem>>, vector<1x16x128xf32>
    %get3A_187 = vector.shape_cast %get3A_186 : vector<1x16x128xf32> to vector<16x128xf32>
    %get3A_188 = arith.index_cast %arg1 : i32 to index
    %get3A_189 = arith.constant 0 : index
    %get3A_190 = arith.constant 0 : index
    %get3A_191 = vector.load %arg6[%get3A_188, %get3A_189, %get3A_190] : memref<8x16x128xf32, #tpu.memory_space<vmem>>, vector<1x16x128xf32>
    %get3A_192 = vector.shape_cast %get3A_191 : vector<1x16x128xf32> to vector<16x128xf32>
    %reduce_min3A_193 = arith.constant dense<0x7F800000> : vector<128xf32>
    %reduce_min3A_194 = vector.multi_reduction <minimumf>, %get3A_187, %reduce_min3A_193 [0] : vector<16x128xf32> to vector<128xf32>
    %broadcast_in_dim3A_195 = vector.shape_cast %reduce_min3A_194 : vector<128xf32> to vector<1x128xf32>
    %le3A_196 = arith.cmpf ole, %broadcast_in_dim3A_195, %broadcast_in_dim3A_174 : vector<1x128xf32>
    %eq3A_197 = vector.broadcast %broadcast_in_dim3A_195 : vector<1x128xf32> to vector<16x128xf32>
    %eq3A_198 = arith.cmpf oeq, %get3A_187, %eq3A_197 : vector<16x128xf32>
    %jit3A_199 = arith.constant 1.000000e+30 : f32
    %broadcast_in_dim3A_200 = vector.broadcast %jit3A_199 : f32 to vector<16x128xf32>
    %select_n3A_201 = arith.select %eq3A_198, %get3A_192, %broadcast_in_dim3A_200 : vector<16x128xi1>, vector<16x128xf32>
    %reduce_min3A_202 = arith.constant dense<0x7F800000> : vector<128xf32>
    %reduce_min3A_203 = vector.multi_reduction <minimumf>, %select_n3A_201, %reduce_min3A_202 [0] : vector<16x128xf32> to vector<128xf32>
    %broadcast_in_dim3A_204 = vector.shape_cast %reduce_min3A_203 : vector<128xf32> to vector<1x128xf32>
    %select_n3A_205 = arith.select %le3A_196, %broadcast_in_dim3A_195, %broadcast_in_dim3A_174 : vector<1x128xi1>, vector<1x128xf32>
    %swap3A_206 = arith.constant 2 : index
    %swap3A_207 = arith.constant 0 : index
    %swap3A_208 = vector.load %arg7[%swap3A_206, %swap3A_207] : memref<16x128xf32, #tpu.memory_space<vmem>>, vector<1x128xf32>
    tpu.vector_store %arg7[%swap3A_206, %swap3A_207], %select_n3A_205 {strides = array<i32>} : memref<16x128xf32, #tpu.memory_space<vmem>>, vector<1x128xf32>,
    %select_n3A_209 = arith.select %le3A_196, %broadcast_in_dim3A_204, %broadcast_in_dim3A_182 : vector<1x128xi1>, vector<1x128xf32>
    %swap3A_210 = arith.constant 2 : index
    %swap3A_211 = arith.constant 0 : index
    %swap3A_212 = vector.load %arg8[%swap3A_210, %swap3A_211] : memref<16x128xf32, #tpu.memory_space<vmem>>, vector<1x128xf32>
    tpu.vector_store %arg8[%swap3A_210, %swap3A_211], %select_n3A_209 {strides = array<i32>} : memref<16x128xf32, #tpu.memory_space<vmem>>, vector<1x128xf32>,
    %jit3A_213 = arith.constant -1.000000e+00 : f32
    %broadcast_in_dim3A_214 = vector.broadcast %jit3A_213 : f32 to vector<1x128xf32>
    %select_n3A_215 = arith.select %le3A_196, %broadcast_in_dim3A_214, %broadcast_in_dim3A_182 : vector<1x128xi1>, vector<1x128xf32>
    %jit3A_216 = arith.constant -1.000000e+00 : f32
    %broadcast_in_dim3A_217 = vector.broadcast %jit3A_216 : f32 to vector<1x128xf32>
    %select_n3A_218 = arith.select %le3A_196, %broadcast_in_dim3A_204, %broadcast_in_dim3A_217 : vector<1x128xi1>, vector<1x128xf32>
    %eq3A_219 = vector.broadcast %select_n3A_215 : vector<1x128xf32> to vector<512x128xf32>
    %eq3A_220 = arith.cmpf oeq, %add3A_13, %eq3A_219 : vector<512x128xf32>
    %jit3A_221 = arith.constant 0x7F800000 : f32
    %broadcast_in_dim3A_222 = vector.broadcast %jit3A_221 : f32 to vector<512x128xf32>
    %select_n3A_223 = arith.select %eq3A_220, %broadcast_in_dim3A_222, %get3A_171 : vector<512x128xi1>, vector<512x128xf32>
    %swap3A_224 = arith.constant 0 : index
    %swap3A_225 = arith.constant 0 : index
    %swap3A_226 = vector.load %arg9[%swap3A_224, %swap3A_225] : memref<512x128xf32, #tpu.memory_space<vmem>>, vector<512x128xf32>
    tpu.vector_store %arg9[%swap3A_224, %swap3A_225], %select_n3A_223 {strides = array<i32>} : memref<512x128xf32, #tpu.memory_space<vmem>>, vector<512x128xf32>,
    %eq3A_227 = vector.broadcast %select_n3A_218 : vector<1x128xf32> to vector<16x128xf32>
    %eq3A_228 = arith.cmpf oeq, %get3A_192, %eq3A_227 : vector<16x128xf32>
    %jit3A_229 = arith.constant 0x7F800000 : f32
    %broadcast_in_dim3A_230 = vector.broadcast %jit3A_229 : f32 to vector<16x128xf32>
    %select_n3A_231 = arith.select %eq3A_228, %broadcast_in_dim3A_230, %get3A_187 : vector<16x128xi1>, vector<16x128xf32>
    %swap3A_232 = arith.index_cast %arg1 : i32 to index
    %swap3A_233 = arith.constant 0 : index
    %swap3A_234 = arith.constant 0 : index
    %swap3A_235 = vector.load %arg5[%swap3A_232, %swap3A_233, %swap3A_234] : memref<8x16x128xf32, #tpu.memory_space<vmem>>, vector<1x16x128xf32>
    %swap3A_236 = vector.shape_cast %swap3A_235 : vector<1x16x128xf32> to vector<16x128xf32>
    %swap3A_237 = vector.shape_cast %select_n3A_231 : vector<16x128xf32> to vector<1x16x128xf32>
    tpu.vector_store %arg5[%swap3A_232, %swap3A_233, %swap3A_234], %swap3A_237 {strides = array<i32>} : memref<8x16x128xf32, #tpu.memory_space<vmem>>, vector<1x16x128xf32>,
    %get3A_238 = arith.constant 0 : index
    %get3A_239 = arith.constant 0 : index
    %get3A_240 = vector.load %arg9[%get3A_238, %get3A_239] : memref<512x128xf32, #tpu.memory_space<vmem>>, vector<512x128xf32>
    %reduce_min3A_241 = arith.constant dense<0x7F800000> : vector<128xf32>
    %reduce_min3A_242 = vector.multi_reduction <minimumf>, %get3A_240, %reduce_min3A_241 [0] : vector<512x128xf32> to vector<128xf32>
    %broadcast_in_dim3A_243 = vector.shape_cast %reduce_min3A_242 : vector<128xf32> to vector<1x128xf32>
    %eq3A_244 = vector.broadcast %broadcast_in_dim3A_243 : vector<1x128xf32> to vector<512x128xf32>
    %eq3A_245 = arith.cmpf oeq, %get3A_240, %eq3A_244 : vector<512x128xf32>
    %jit3A_246 = arith.constant 1.000000e+30 : f32
    %broadcast_in_dim3A_247 = vector.broadcast %jit3A_246 : f32 to vector<512x128xf32>
    %select_n3A_248 = arith.select %eq3A_245, %add3A_13, %broadcast_in_dim3A_247 : vector<512x128xi1>, vector<512x128xf32>
    %reduce_min3A_249 = arith.constant dense<0x7F800000> : vector<128xf32>
    %reduce_min3A_250 = vector.multi_reduction <minimumf>, %select_n3A_248, %reduce_min3A_249 [0] : vector<512x128xf32> to vector<128xf32>
    %broadcast_in_dim3A_251 = vector.shape_cast %reduce_min3A_250 : vector<128xf32> to vector<1x128xf32>
    %get3A_252 = arith.index_cast %arg1 : i32 to index
    %get3A_253 = arith.constant 0 : index
    %get3A_254 = arith.constant 0 : index
    %get3A_255 = vector.load %arg5[%get3A_252, %get3A_253, %get3A_254] : memref<8x16x128xf32, #tpu.memory_space<vmem>>, vector<1x16x128xf32>
    %get3A_256 = vector.shape_cast %get3A_255 : vector<1x16x128xf32> to vector<16x128xf32>
    %get3A_257 = arith.index_cast %arg1 : i32 to index
    %get3A_258 = arith.constant 0 : index
    %get3A_259 = arith.constant 0 : index
    %get3A_260 = vector.load %arg6[%get3A_257, %get3A_258, %get3A_259] : memref<8x16x128xf32, #tpu.memory_space<vmem>>, vector<1x16x128xf32>
    %get3A_261 = vector.shape_cast %get3A_260 : vector<1x16x128xf32> to vector<16x128xf32>
    %reduce_min3A_262 = arith.constant dense<0x7F800000> : vector<128xf32>
    %reduce_min3A_263 = vector.multi_reduction <minimumf>, %get3A_256, %reduce_min3A_262 [0] : vector<16x128xf32> to vector<128xf32>
    %broadcast_in_dim3A_264 = vector.shape_cast %reduce_min3A_263 : vector<128xf32> to vector<1x128xf32>
    %le3A_265 = arith.cmpf ole, %broadcast_in_dim3A_264, %broadcast_in_dim3A_243 : vector<1x128xf32>
    %eq3A_266 = vector.broadcast %broadcast_in_dim3A_264 : vector<1x128xf32> to vector<16x128xf32>
    %eq3A_267 = arith.cmpf oeq, %get3A_256, %eq3A_266 : vector<16x128xf32>
    %jit3A_268 = arith.constant 1.000000e+30 : f32
    %broadcast_in_dim3A_269 = vector.broadcast %jit3A_268 : f32 to vector<16x128xf32>
    %select_n3A_270 = arith.select %eq3A_267, %get3A_261, %broadcast_in_dim3A_269 : vector<16x128xi1>, vector<16x128xf32>
    %reduce_min3A_271 = arith.constant dense<0x7F800000> : vector<128xf32>
    %reduce_min3A_272 = vector.multi_reduction <minimumf>, %select_n3A_270, %reduce_min3A_271 [0] : vector<16x128xf32> to vector<128xf32>
    %broadcast_in_dim3A_273 = vector.shape_cast %reduce_min3A_272 : vector<128xf32> to vector<1x128xf32>
    %select_n3A_274 = arith.select %le3A_265, %broadcast_in_dim3A_264, %broadcast_in_dim3A_243 : vector<1x128xi1>, vector<1x128xf32>
    %swap3A_275 = arith.constant 3 : index
    %swap3A_276 = arith.constant 0 : index
    %swap3A_277 = vector.load %arg7[%swap3A_275, %swap3A_276] : memref<16x128xf32, #tpu.memory_space<vmem>>, vector<1x128xf32>
    tpu.vector_store %arg7[%swap3A_275, %swap3A_276], %select_n3A_274 {strides = array<i32>} : memref<16x128xf32, #tpu.memory_space<vmem>>, vector<1x128xf32>,
    %select_n3A_278 = arith.select %le3A_265, %broadcast_in_dim3A_273, %broadcast_in_dim3A_251 : vector<1x128xi1>, vector<1x128xf32>
    %swap3A_279 = arith.constant 3 : index
    %swap3A_280 = arith.constant 0 : index
    %swap3A_281 = vector.load %arg8[%swap3A_279, %swap3A_280] : memref<16x128xf32, #tpu.memory_space<vmem>>, vector<1x128xf32>
    tpu.vector_store %arg8[%swap3A_279, %swap3A_280], %select_n3A_278 {strides = array<i32>} : memref<16x128xf32, #tpu.memory_space<vmem>>, vector<1x128xf32>,
    %jit3A_282 = arith.constant -1.000000e+00 : f32
    %broadcast_in_dim3A_283 = vector.broadcast %jit3A_282 : f32 to vector<1x128xf32>
    %select_n3A_284 = arith.select %le3A_265, %broadcast_in_dim3A_283, %broadcast_in_dim3A_251 : vector<1x128xi1>, vector<1x128xf32>
    %jit3A_285 = arith.constant -1.000000e+00 : f32
    %broadcast_in_dim3A_286 = vector.broadcast %jit3A_285 : f32 to vector<1x128xf32>
    %select_n3A_287 = arith.select %le3A_265, %broadcast_in_dim3A_273, %broadcast_in_dim3A_286 : vector<1x128xi1>, vector<1x128xf32>
    %eq3A_288 = vector.broadcast %select_n3A_284 : vector<1x128xf32> to vector<512x128xf32>
    %eq3A_289 = arith.cmpf oeq, %add3A_13, %eq3A_288 : vector<512x128xf32>
    %jit3A_290 = arith.constant 0x7F800000 : f32
    %broadcast_in_dim3A_291 = vector.broadcast %jit3A_290 : f32 to vector<512x128xf32>
    %select_n3A_292 = arith.select %eq3A_289, %broadcast_in_dim3A_291, %get3A_240 : vector<512x128xi1>, vector<512x128xf32>
    %swap3A_293 = arith.constant 0 : index
    %swap3A_294 = arith.constant 0 : index
    %swap3A_295 = vector.load %arg9[%swap3A_293, %swap3A_294] : memref<512x128xf32, #tpu.memory_space<vmem>>, vector<512x128xf32>
    tpu.vector_store %arg9[%swap3A_293, %swap3A_294], %select_n3A_292 {strides = array<i32>} : memref<512x128xf32, #tpu.memory_space<vmem>>, vector<512x128xf32>,
    %eq3A_296 = vector.broadcast %select_n3A_287 : vector<1x128xf32> to vector<16x128xf32>
    %eq3A_297 = arith.cmpf oeq, %get3A_261, %eq3A_296 : vector<16x128xf32>
    %jit3A_298 = arith.constant 0x7F800000 : f32
    %broadcast_in_dim3A_299 = vector.broadcast %jit3A_298 : f32 to vector<16x128xf32>
    %select_n3A_300 = arith.select %eq3A_297, %broadcast_in_dim3A_299, %get3A_256 : vector<16x128xi1>, vector<16x128xf32>
    %swap3A_301 = arith.index_cast %arg1 : i32 to index
    %swap3A_302 = arith.constant 0 : index
    %swap3A_303 = arith.constant 0 : index
    %swap3A_304 = vector.load %arg5[%swap3A_301, %swap3A_302, %swap3A_303] : memref<8x16x128xf32, #tpu.memory_space<vmem>>, vector<1x16x128xf32>
    %swap3A_305 = vector.shape_cast %swap3A_304 : vector<1x16x128xf32> to vector<16x128xf32>
    %swap3A_306 = vector.shape_cast %select_n3A_300 : vector<16x128xf32> to vector<1x16x128xf32>
    tpu.vector_store %arg5[%swap3A_301, %swap3A_302, %swap3A_303], %swap3A_306 {strides = array<i32>} : memref<8x16x128xf32, #tpu.memory_space<vmem>>, vector<1x16x128xf32>,
    %get3A_307 = arith.constant 0 : index
    %get3A_308 = arith.constant 0 : index
    %get3A_309 = vector.load %arg9[%get3A_307, %get3A_308] : memref<512x128xf32, #tpu.memory_space<vmem>>, vector<512x128xf32>
    %reduce_min3A_310 = arith.constant dense<0x7F800000> : vector<128xf32>
    %reduce_min3A_311 = vector.multi_reduction <minimumf>, %get3A_309, %reduce_min3A_310 [0] : vector<512x128xf32> to vector<128xf32>
    %broadcast_in_dim3A_312 = vector.shape_cast %reduce_min3A_311 : vector<128xf32> to vector<1x128xf32>
    %eq3A_313 = vector.broadcast %broadcast_in_dim3A_312 : vector<1x128xf32> to vector<512x128xf32>
    %eq3A_314 = arith.cmpf oeq, %get3A_309, %eq3A_313 : vector<512x128xf32>
    %jit3A_315 = arith.constant 1.000000e+30 : f32
    %broadcast_in_dim3A_316 = vector.broadcast %jit3A_315 : f32 to vector<512x128xf32>
    %select_n3A_317 = arith.select %eq3A_314, %add3A_13, %broadcast_in_dim3A_316 : vector<512x128xi1>, vector<512x128xf32>
    %reduce_min3A_318 = arith.constant dense<0x7F800000> : vector<128xf32>
    %reduce_min3A_319 = vector.multi_reduction <minimumf>, %select_n3A_317, %reduce_min3A_318 [0] : vector<512x128xf32> to vector<128xf32>
    %broadcast_in_dim3A_320 = vector.shape_cast %reduce_min3A_319 : vector<128xf32> to vector<1x128xf32>
    %get3A_321 = arith.index_cast %arg1 : i32 to index
    %get3A_322 = arith.constant 0 : index
    %get3A_323 = arith.constant 0 : index
    %get3A_324 = vector.load %arg5[%get3A_321, %get3A_322, %get3A_323] : memref<8x16x128xf32, #tpu.memory_space<vmem>>, vector<1x16x128xf32>
    %get3A_325 = vector.shape_cast %get3A_324 : vector<1x16x128xf32> to vector<16x128xf32>
    %get3A_326 = arith.index_cast %arg1 : i32 to index
    %get3A_327 = arith.constant 0 : index
    %get3A_328 = arith.constant 0 : index
    %get3A_329 = vector.load %arg6[%get3A_326, %get3A_327, %get3A_328] : memref<8x16x128xf32, #tpu.memory_space<vmem>>, vector<1x16x128xf32>
    %get3A_330 = vector.shape_cast %get3A_329 : vector<1x16x128xf32> to vector<16x128xf32>
    %reduce_min3A_331 = arith.constant dense<0x7F800000> : vector<128xf32>
    %reduce_min3A_332 = vector.multi_reduction <minimumf>, %get3A_325, %reduce_min3A_331 [0] : vector<16x128xf32> to vector<128xf32>
    %broadcast_in_dim3A_333 = vector.shape_cast %reduce_min3A_332 : vector<128xf32> to vector<1x128xf32>
    %le3A_334 = arith.cmpf ole, %broadcast_in_dim3A_333, %broadcast_in_dim3A_312 : vector<1x128xf32>
    %eq3A_335 = vector.broadcast %broadcast_in_dim3A_333 : vector<1x128xf32> to vector<16x128xf32>
    %eq3A_336 = arith.cmpf oeq, %get3A_325, %eq3A_335 : vector<16x128xf32>
    %jit3A_337 = arith.constant 1.000000e+30 : f32
    %broadcast_in_dim3A_338 = vector.broadcast %jit3A_337 : f32 to vector<16x128xf32>
    %select_n3A_339 = arith.select %eq3A_336, %get3A_330, %broadcast_in_dim3A_338 : vector<16x128xi1>, vector<16x128xf32>
    %reduce_min3A_340 = arith.constant dense<0x7F800000> : vector<128xf32>
    %reduce_min3A_341 = vector.multi_reduction <minimumf>, %select_n3A_339, %reduce_min3A_340 [0] : vector<16x128xf32> to vector<128xf32>
    %broadcast_in_dim3A_342 = vector.shape_cast %reduce_min3A_341 : vector<128xf32> to vector<1x128xf32>
    %select_n3A_343 = arith.select %le3A_334, %broadcast_in_dim3A_333, %broadcast_in_dim3A_312 : vector<1x128xi1>, vector<1x128xf32>
    %swap3A_344 = arith.constant 4 : index
    %swap3A_345 = arith.constant 0 : index
    %swap3A_346 = vector.load %arg7[%swap3A_344, %swap3A_345] : memref<16x128xf32, #tpu.memory_space<vmem>>, vector<1x128xf32>
    tpu.vector_store %arg7[%swap3A_344, %swap3A_345], %select_n3A_343 {strides = array<i32>} : memref<16x128xf32, #tpu.memory_space<vmem>>, vector<1x128xf32>,
    %select_n3A_347 = arith.select %le3A_334, %broadcast_in_dim3A_342, %broadcast_in_dim3A_320 : vector<1x128xi1>, vector<1x128xf32>
    %swap3A_348 = arith.constant 4 : index
    %swap3A_349 = arith.constant 0 : index
    %swap3A_350 = vector.load %arg8[%swap3A_348, %swap3A_349] : memref<16x128xf32, #tpu.memory_space<vmem>>, vector<1x128xf32>
    tpu.vector_store %arg8[%swap3A_348, %swap3A_349], %select_n3A_347 {strides = array<i32>} : memref<16x128xf32, #tpu.memory_space<vmem>>, vector<1x128xf32>,
    %jit3A_351 = arith.constant -1.000000e+00 : f32
    %broadcast_in_dim3A_352 = vector.broadcast %jit3A_351 : f32 to vector<1x128xf32>
    %select_n3A_353 = arith.select %le3A_334, %broadcast_in_dim3A_352, %broadcast_in_dim3A_320 : vector<1x128xi1>, vector<1x128xf32>
    %jit3A_354 = arith.constant -1.000000e+00 : f32
    %broadcast_in_dim3A_355 = vector.broadcast %jit3A_354 : f32 to vector<1x128xf32>
    %select_n3A_356 = arith.select %le3A_334, %broadcast_in_dim3A_342, %broadcast_in_dim3A_355 : vector<1x128xi1>, vector<1x128xf32>
    %eq3A_357 = vector.broadcast %select_n3A_353 : vector<1x128xf32> to vector<512x128xf32>
    %eq3A_358 = arith.cmpf oeq, %add3A_13, %eq3A_357 : vector<512x128xf32>
    %jit3A_359 = arith.constant 0x7F800000 : f32
    %broadcast_in_dim3A_360 = vector.broadcast %jit3A_359 : f32 to vector<512x128xf32>
    %select_n3A_361 = arith.select %eq3A_358, %broadcast_in_dim3A_360, %get3A_309 : vector<512x128xi1>, vector<512x128xf32>
    %swap3A_362 = arith.constant 0 : index
    %swap3A_363 = arith.constant 0 : index
    %swap3A_364 = vector.load %arg9[%swap3A_362, %swap3A_363] : memref<512x128xf32, #tpu.memory_space<vmem>>, vector<512x128xf32>
    tpu.vector_store %arg9[%swap3A_362, %swap3A_363], %select_n3A_361 {strides = array<i32>} : memref<512x128xf32, #tpu.memory_space<vmem>>, vector<512x128xf32>,
    %eq3A_365 = vector.broadcast %select_n3A_356 : vector<1x128xf32> to vector<16x128xf32>
    %eq3A_366 = arith.cmpf oeq, %get3A_330, %eq3A_365 : vector<16x128xf32>
    %jit3A_367 = arith.constant 0x7F800000 : f32
    %broadcast_in_dim3A_368 = vector.broadcast %jit3A_367 : f32 to vector<16x128xf32>
    %select_n3A_369 = arith.select %eq3A_366, %broadcast_in_dim3A_368, %get3A_325 : vector<16x128xi1>, vector<16x128xf32>
    %swap3A_370 = arith.index_cast %arg1 : i32 to index
    %swap3A_371 = arith.constant 0 : index
    %swap3A_372 = arith.constant 0 : index
    %swap3A_373 = vector.load %arg5[%swap3A_370, %swap3A_371, %swap3A_372] : memref<8x16x128xf32, #tpu.memory_space<vmem>>, vector<1x16x128xf32>
    %swap3A_374 = vector.shape_cast %swap3A_373 : vector<1x16x128xf32> to vector<16x128xf32>
    %swap3A_375 = vector.shape_cast %select_n3A_369 : vector<16x128xf32> to vector<1x16x128xf32>
    tpu.vector_store %arg5[%swap3A_370, %swap3A_371, %swap3A_372], %swap3A_375 {strides = array<i32>} : memref<8x16x128xf32, #tpu.memory_space<vmem>>, vector<1x16x128xf32>,
    %get3A_376 = arith.constant 0 : index
    %get3A_377 = arith.constant 0 : index
    %get3A_378 = vector.load %arg9[%get3A_376, %get3A_377] : memref<512x128xf32, #tpu.memory_space<vmem>>, vector<512x128xf32>
    %reduce_min3A_379 = arith.constant dense<0x7F800000> : vector<128xf32>
    %reduce_min3A_380 = vector.multi_reduction <minimumf>, %get3A_378, %reduce_min3A_379 [0] : vector<512x128xf32> to vector<128xf32>
    %broadcast_in_dim3A_381 = vector.shape_cast %reduce_min3A_380 : vector<128xf32> to vector<1x128xf32>
    %eq3A_382 = vector.broadcast %broadcast_in_dim3A_381 : vector<1x128xf32> to vector<512x128xf32>
    %eq3A_383 = arith.cmpf oeq, %get3A_378, %eq3A_382 : vector<512x128xf32>
    %jit3A_384 = arith.constant 1.000000e+30 : f32
    %broadcast_in_dim3A_385 = vector.broadcast %jit3A_384 : f32 to vector<512x128xf32>
    %select_n3A_386 = arith.select %eq3A_383, %add3A_13, %broadcast_in_dim3A_385 : vector<512x128xi1>, vector<512x128xf32>
    %reduce_min3A_387 = arith.constant dense<0x7F800000> : vector<128xf32>
    %reduce_min3A_388 = vector.multi_reduction <minimumf>, %select_n3A_386, %reduce_min3A_387 [0] : vector<512x128xf32> to vector<128xf32>
    %broadcast_in_dim3A_389 = vector.shape_cast %reduce_min3A_388 : vector<128xf32> to vector<1x128xf32>
    %get3A_390 = arith.index_cast %arg1 : i32 to index
    %get3A_391 = arith.constant 0 : index
    %get3A_392 = arith.constant 0 : index
    %get3A_393 = vector.load %arg5[%get3A_390, %get3A_391, %get3A_392] : memref<8x16x128xf32, #tpu.memory_space<vmem>>, vector<1x16x128xf32>
    %get3A_394 = vector.shape_cast %get3A_393 : vector<1x16x128xf32> to vector<16x128xf32>
    %get3A_395 = arith.index_cast %arg1 : i32 to index
    %get3A_396 = arith.constant 0 : index
    %get3A_397 = arith.constant 0 : index
    %get3A_398 = vector.load %arg6[%get3A_395, %get3A_396, %get3A_397] : memref<8x16x128xf32, #tpu.memory_space<vmem>>, vector<1x16x128xf32>
    %get3A_399 = vector.shape_cast %get3A_398 : vector<1x16x128xf32> to vector<16x128xf32>
    %reduce_min3A_400 = arith.constant dense<0x7F800000> : vector<128xf32>
    %reduce_min3A_401 = vector.multi_reduction <minimumf>, %get3A_394, %reduce_min3A_400 [0] : vector<16x128xf32> to vector<128xf32>
    %broadcast_in_dim3A_402 = vector.shape_cast %reduce_min3A_401 : vector<128xf32> to vector<1x128xf32>
    %le3A_403 = arith.cmpf ole, %broadcast_in_dim3A_402, %broadcast_in_dim3A_381 : vector<1x128xf32>
    %eq3A_404 = vector.broadcast %broadcast_in_dim3A_402 : vector<1x128xf32> to vector<16x128xf32>
    %eq3A_405 = arith.cmpf oeq, %get3A_394, %eq3A_404 : vector<16x128xf32>
    %jit3A_406 = arith.constant 1.000000e+30 : f32
    %broadcast_in_dim3A_407 = vector.broadcast %jit3A_406 : f32 to vector<16x128xf32>
    %select_n3A_408 = arith.select %eq3A_405, %get3A_399, %broadcast_in_dim3A_407 : vector<16x128xi1>, vector<16x128xf32>
    %reduce_min3A_409 = arith.constant dense<0x7F800000> : vector<128xf32>
    %reduce_min3A_410 = vector.multi_reduction <minimumf>, %select_n3A_408, %reduce_min3A_409 [0] : vector<16x128xf32> to vector<128xf32>
    %broadcast_in_dim3A_411 = vector.shape_cast %reduce_min3A_410 : vector<128xf32> to vector<1x128xf32>
    %select_n3A_412 = arith.select %le3A_403, %broadcast_in_dim3A_402, %broadcast_in_dim3A_381 : vector<1x128xi1>, vector<1x128xf32>
    %swap3A_413 = arith.constant 5 : index
    %swap3A_414 = arith.constant 0 : index
    %swap3A_415 = vector.load %arg7[%swap3A_413, %swap3A_414] : memref<16x128xf32, #tpu.memory_space<vmem>>, vector<1x128xf32>
    tpu.vector_store %arg7[%swap3A_413, %swap3A_414], %select_n3A_412 {strides = array<i32>} : memref<16x128xf32, #tpu.memory_space<vmem>>, vector<1x128xf32>,
    %select_n3A_416 = arith.select %le3A_403, %broadcast_in_dim3A_411, %broadcast_in_dim3A_389 : vector<1x128xi1>, vector<1x128xf32>
    %swap3A_417 = arith.constant 5 : index
    %swap3A_418 = arith.constant 0 : index
    %swap3A_419 = vector.load %arg8[%swap3A_417, %swap3A_418] : memref<16x128xf32, #tpu.memory_space<vmem>>, vector<1x128xf32>
    tpu.vector_store %arg8[%swap3A_417, %swap3A_418], %select_n3A_416 {strides = array<i32>} : memref<16x128xf32, #tpu.memory_space<vmem>>, vector<1x128xf32>,
    %jit3A_420 = arith.constant -1.000000e+00 : f32
    %broadcast_in_dim3A_421 = vector.broadcast %jit3A_420 : f32 to vector<1x128xf32>
    %select_n3A_422 = arith.select %le3A_403, %broadcast_in_dim3A_421, %broadcast_in_dim3A_389 : vector<1x128xi1>, vector<1x128xf32>
    %jit3A_423 = arith.constant -1.000000e+00 : f32
    %broadcast_in_dim3A_424 = vector.broadcast %jit3A_423 : f32 to vector<1x128xf32>
    %select_n3A_425 = arith.select %le3A_403, %broadcast_in_dim3A_411, %broadcast_in_dim3A_424 : vector<1x128xi1>, vector<1x128xf32>
    %eq3A_426 = vector.broadcast %select_n3A_422 : vector<1x128xf32> to vector<512x128xf32>
    %eq3A_427 = arith.cmpf oeq, %add3A_13, %eq3A_426 : vector<512x128xf32>
    %jit3A_428 = arith.constant 0x7F800000 : f32
    %broadcast_in_dim3A_429 = vector.broadcast %jit3A_428 : f32 to vector<512x128xf32>
    %select_n3A_430 = arith.select %eq3A_427, %broadcast_in_dim3A_429, %get3A_378 : vector<512x128xi1>, vector<512x128xf32>
    %swap3A_431 = arith.constant 0 : index
    %swap3A_432 = arith.constant 0 : index
    %swap3A_433 = vector.load %arg9[%swap3A_431, %swap3A_432] : memref<512x128xf32, #tpu.memory_space<vmem>>, vector<512x128xf32>
    tpu.vector_store %arg9[%swap3A_431, %swap3A_432], %select_n3A_430 {strides = array<i32>} : memref<512x128xf32, #tpu.memory_space<vmem>>, vector<512x128xf32>,
    %eq3A_434 = vector.broadcast %select_n3A_425 : vector<1x128xf32> to vector<16x128xf32>
    %eq3A_435 = arith.cmpf oeq, %get3A_399, %eq3A_434 : vector<16x128xf32>
    %jit3A_436 = arith.constant 0x7F800000 : f32
    %broadcast_in_dim3A_437 = vector.broadcast %jit3A_436 : f32 to vector<16x128xf32>
    %select_n3A_438 = arith.select %eq3A_435, %broadcast_in_dim3A_437, %get3A_394 : vector<16x128xi1>, vector<16x128xf32>
    %swap3A_439 = arith.index_cast %arg1 : i32 to index
    %swap3A_440 = arith.constant 0 : index
    %swap3A_441 = arith.constant 0 : index
    %swap3A_442 = vector.load %arg5[%swap3A_439, %swap3A_440, %swap3A_441] : memref<8x16x128xf32, #tpu.memory_space<vmem>>, vector<1x16x128xf32>
    %swap3A_443 = vector.shape_cast %swap3A_442 : vector<1x16x128xf32> to vector<16x128xf32>
    %swap3A_444 = vector.shape_cast %select_n3A_438 : vector<16x128xf32> to vector<1x16x128xf32>
    tpu.vector_store %arg5[%swap3A_439, %swap3A_440, %swap3A_441], %swap3A_444 {strides = array<i32>} : memref<8x16x128xf32, #tpu.memory_space<vmem>>, vector<1x16x128xf32>,
    %get3A_445 = arith.constant 0 : index
    %get3A_446 = arith.constant 0 : index
    %get3A_447 = vector.load %arg9[%get3A_445, %get3A_446] : memref<512x128xf32, #tpu.memory_space<vmem>>, vector<512x128xf32>
    %reduce_min3A_448 = arith.constant dense<0x7F800000> : vector<128xf32>
    %reduce_min3A_449 = vector.multi_reduction <minimumf>, %get3A_447, %reduce_min3A_448 [0] : vector<512x128xf32> to vector<128xf32>
    %broadcast_in_dim3A_450 = vector.shape_cast %reduce_min3A_449 : vector<128xf32> to vector<1x128xf32>
    %eq3A_451 = vector.broadcast %broadcast_in_dim3A_450 : vector<1x128xf32> to vector<512x128xf32>
    %eq3A_452 = arith.cmpf oeq, %get3A_447, %eq3A_451 : vector<512x128xf32>
    %jit3A_453 = arith.constant 1.000000e+30 : f32
    %broadcast_in_dim3A_454 = vector.broadcast %jit3A_453 : f32 to vector<512x128xf32>
    %select_n3A_455 = arith.select %eq3A_452, %add3A_13, %broadcast_in_dim3A_454 : vector<512x128xi1>, vector<512x128xf32>
    %reduce_min3A_456 = arith.constant dense<0x7F800000> : vector<128xf32>
    %reduce_min3A_457 = vector.multi_reduction <minimumf>, %select_n3A_455, %reduce_min3A_456 [0] : vector<512x128xf32> to vector<128xf32>
    %broadcast_in_dim3A_458 = vector.shape_cast %reduce_min3A_457 : vector<128xf32> to vector<1x128xf32>
    %get3A_459 = arith.index_cast %arg1 : i32 to index
    %get3A_460 = arith.constant 0 : index
    %get3A_461 = arith.constant 0 : index
    %get3A_462 = vector.load %arg5[%get3A_459, %get3A_460, %get3A_461] : memref<8x16x128xf32, #tpu.memory_space<vmem>>, vector<1x16x128xf32>
    %get3A_463 = vector.shape_cast %get3A_462 : vector<1x16x128xf32> to vector<16x128xf32>
    %get3A_464 = arith.index_cast %arg1 : i32 to index
    %get3A_465 = arith.constant 0 : index
    %get3A_466 = arith.constant 0 : index
    %get3A_467 = vector.load %arg6[%get3A_464, %get3A_465, %get3A_466] : memref<8x16x128xf32, #tpu.memory_space<vmem>>, vector<1x16x128xf32>
    %get3A_468 = vector.shape_cast %get3A_467 : vector<1x16x128xf32> to vector<16x128xf32>
    %reduce_min3A_469 = arith.constant dense<0x7F800000> : vector<128xf32>
    %reduce_min3A_470 = vector.multi_reduction <minimumf>, %get3A_463, %reduce_min3A_469 [0] : vector<16x128xf32> to vector<128xf32>
    %broadcast_in_dim3A_471 = vector.shape_cast %reduce_min3A_470 : vector<128xf32> to vector<1x128xf32>
    %le3A_472 = arith.cmpf ole, %broadcast_in_dim3A_471, %broadcast_in_dim3A_450 : vector<1x128xf32>
    %eq3A_473 = vector.broadcast %broadcast_in_dim3A_471 : vector<1x128xf32> to vector<16x128xf32>
    %eq3A_474 = arith.cmpf oeq, %get3A_463, %eq3A_473 : vector<16x128xf32>
    %jit3A_475 = arith.constant 1.000000e+30 : f32
    %broadcast_in_dim3A_476 = vector.broadcast %jit3A_475 : f32 to vector<16x128xf32>
    %select_n3A_477 = arith.select %eq3A_474, %get3A_468, %broadcast_in_dim3A_476 : vector<16x128xi1>, vector<16x128xf32>
    %reduce_min3A_478 = arith.constant dense<0x7F800000> : vector<128xf32>
    %reduce_min3A_479 = vector.multi_reduction <minimumf>, %select_n3A_477, %reduce_min3A_478 [0] : vector<16x128xf32> to vector<128xf32>
    %broadcast_in_dim3A_480 = vector.shape_cast %reduce_min3A_479 : vector<128xf32> to vector<1x128xf32>
    %select_n3A_481 = arith.select %le3A_472, %broadcast_in_dim3A_471, %broadcast_in_dim3A_450 : vector<1x128xi1>, vector<1x128xf32>
    %swap3A_482 = arith.constant 6 : index
    %swap3A_483 = arith.constant 0 : index
    %swap3A_484 = vector.load %arg7[%swap3A_482, %swap3A_483] : memref<16x128xf32, #tpu.memory_space<vmem>>, vector<1x128xf32>
    tpu.vector_store %arg7[%swap3A_482, %swap3A_483], %select_n3A_481 {strides = array<i32>} : memref<16x128xf32, #tpu.memory_space<vmem>>, vector<1x128xf32>,
    %select_n3A_485 = arith.select %le3A_472, %broadcast_in_dim3A_480, %broadcast_in_dim3A_458 : vector<1x128xi1>, vector<1x128xf32>
    %swap3A_486 = arith.constant 6 : index
    %swap3A_487 = arith.constant 0 : index
    %swap3A_488 = vector.load %arg8[%swap3A_486, %swap3A_487] : memref<16x128xf32, #tpu.memory_space<vmem>>, vector<1x128xf32>
    tpu.vector_store %arg8[%swap3A_486, %swap3A_487], %select_n3A_485 {strides = array<i32>} : memref<16x128xf32, #tpu.memory_space<vmem>>, vector<1x128xf32>,
    %jit3A_489 = arith.constant -1.000000e+00 : f32
    %broadcast_in_dim3A_490 = vector.broadcast %jit3A_489 : f32 to vector<1x128xf32>
    %select_n3A_491 = arith.select %le3A_472, %broadcast_in_dim3A_490, %broadcast_in_dim3A_458 : vector<1x128xi1>, vector<1x128xf32>
    %jit3A_492 = arith.constant -1.000000e+00 : f32
    %broadcast_in_dim3A_493 = vector.broadcast %jit3A_492 : f32 to vector<1x128xf32>
    %select_n3A_494 = arith.select %le3A_472, %broadcast_in_dim3A_480, %broadcast_in_dim3A_493 : vector<1x128xi1>, vector<1x128xf32>
    %eq3A_495 = vector.broadcast %select_n3A_491 : vector<1x128xf32> to vector<512x128xf32>
    %eq3A_496 = arith.cmpf oeq, %add3A_13, %eq3A_495 : vector<512x128xf32>
    %jit3A_497 = arith.constant 0x7F800000 : f32
    %broadcast_in_dim3A_498 = vector.broadcast %jit3A_497 : f32 to vector<512x128xf32>
    %select_n3A_499 = arith.select %eq3A_496, %broadcast_in_dim3A_498, %get3A_447 : vector<512x128xi1>, vector<512x128xf32>
    %swap3A_500 = arith.constant 0 : index
    %swap3A_501 = arith.constant 0 : index
    %swap3A_502 = vector.load %arg9[%swap3A_500, %swap3A_501] : memref<512x128xf32, #tpu.memory_space<vmem>>, vector<512x128xf32>
    tpu.vector_store %arg9[%swap3A_500, %swap3A_501], %select_n3A_499 {strides = array<i32>} : memref<512x128xf32, #tpu.memory_space<vmem>>, vector<512x128xf32>,
    %eq3A_503 = vector.broadcast %select_n3A_494 : vector<1x128xf32> to vector<16x128xf32>
    %eq3A_504 = arith.cmpf oeq, %get3A_468, %eq3A_503 : vector<16x128xf32>
    %jit3A_505 = arith.constant 0x7F800000 : f32
    %broadcast_in_dim3A_506 = vector.broadcast %jit3A_505 : f32 to vector<16x128xf32>
    %select_n3A_507 = arith.select %eq3A_504, %broadcast_in_dim3A_506, %get3A_463 : vector<16x128xi1>, vector<16x128xf32>
    %swap3A_508 = arith.index_cast %arg1 : i32 to index
    %swap3A_509 = arith.constant 0 : index
    %swap3A_510 = arith.constant 0 : index
    %swap3A_511 = vector.load %arg5[%swap3A_508, %swap3A_509, %swap3A_510] : memref<8x16x128xf32, #tpu.memory_space<vmem>>, vector<1x16x128xf32>
    %swap3A_512 = vector.shape_cast %swap3A_511 : vector<1x16x128xf32> to vector<16x128xf32>
    %swap3A_513 = vector.shape_cast %select_n3A_507 : vector<16x128xf32> to vector<1x16x128xf32>
    tpu.vector_store %arg5[%swap3A_508, %swap3A_509, %swap3A_510], %swap3A_513 {strides = array<i32>} : memref<8x16x128xf32, #tpu.memory_space<vmem>>, vector<1x16x128xf32>,
    %get3A_514 = arith.constant 0 : index
    %get3A_515 = arith.constant 0 : index
    %get3A_516 = vector.load %arg9[%get3A_514, %get3A_515] : memref<512x128xf32, #tpu.memory_space<vmem>>, vector<512x128xf32>
    %reduce_min3A_517 = arith.constant dense<0x7F800000> : vector<128xf32>
    %reduce_min3A_518 = vector.multi_reduction <minimumf>, %get3A_516, %reduce_min3A_517 [0] : vector<512x128xf32> to vector<128xf32>
    %broadcast_in_dim3A_519 = vector.shape_cast %reduce_min3A_518 : vector<128xf32> to vector<1x128xf32>
    %eq3A_520 = vector.broadcast %broadcast_in_dim3A_519 : vector<1x128xf32> to vector<512x128xf32>
    %eq3A_521 = arith.cmpf oeq, %get3A_516, %eq3A_520 : vector<512x128xf32>
    %jit3A_522 = arith.constant 1.000000e+30 : f32
    %broadcast_in_dim3A_523 = vector.broadcast %jit3A_522 : f32 to vector<512x128xf32>
    %select_n3A_524 = arith.select %eq3A_521, %add3A_13, %broadcast_in_dim3A_523 : vector<512x128xi1>, vector<512x128xf32>
    %reduce_min3A_525 = arith.constant dense<0x7F800000> : vector<128xf32>
    %reduce_min3A_526 = vector.multi_reduction <minimumf>, %select_n3A_524, %reduce_min3A_525 [0] : vector<512x128xf32> to vector<128xf32>
    %broadcast_in_dim3A_527 = vector.shape_cast %reduce_min3A_526 : vector<128xf32> to vector<1x128xf32>
    %get3A_528 = arith.index_cast %arg1 : i32 to index
    %get3A_529 = arith.constant 0 : index
    %get3A_530 = arith.constant 0 : index
    %get3A_531 = vector.load %arg5[%get3A_528, %get3A_529, %get3A_530] : memref<8x16x128xf32, #tpu.memory_space<vmem>>, vector<1x16x128xf32>
    %get3A_532 = vector.shape_cast %get3A_531 : vector<1x16x128xf32> to vector<16x128xf32>
    %get3A_533 = arith.index_cast %arg1 : i32 to index
    %get3A_534 = arith.constant 0 : index
    %get3A_535 = arith.constant 0 : index
    %get3A_536 = vector.load %arg6[%get3A_533, %get3A_534, %get3A_535] : memref<8x16x128xf32, #tpu.memory_space<vmem>>, vector<1x16x128xf32>
    %get3A_537 = vector.shape_cast %get3A_536 : vector<1x16x128xf32> to vector<16x128xf32>
    %reduce_min3A_538 = arith.constant dense<0x7F800000> : vector<128xf32>
    %reduce_min3A_539 = vector.multi_reduction <minimumf>, %get3A_532, %reduce_min3A_538 [0] : vector<16x128xf32> to vector<128xf32>
    %broadcast_in_dim3A_540 = vector.shape_cast %reduce_min3A_539 : vector<128xf32> to vector<1x128xf32>
    %le3A_541 = arith.cmpf ole, %broadcast_in_dim3A_540, %broadcast_in_dim3A_519 : vector<1x128xf32>
    %eq3A_542 = vector.broadcast %broadcast_in_dim3A_540 : vector<1x128xf32> to vector<16x128xf32>
    %eq3A_543 = arith.cmpf oeq, %get3A_532, %eq3A_542 : vector<16x128xf32>
    %jit3A_544 = arith.constant 1.000000e+30 : f32
    %broadcast_in_dim3A_545 = vector.broadcast %jit3A_544 : f32 to vector<16x128xf32>
    %select_n3A_546 = arith.select %eq3A_543, %get3A_537, %broadcast_in_dim3A_545 : vector<16x128xi1>, vector<16x128xf32>
    %reduce_min3A_547 = arith.constant dense<0x7F800000> : vector<128xf32>
    %reduce_min3A_548 = vector.multi_reduction <minimumf>, %select_n3A_546, %reduce_min3A_547 [0] : vector<16x128xf32> to vector<128xf32>
    %broadcast_in_dim3A_549 = vector.shape_cast %reduce_min3A_548 : vector<128xf32> to vector<1x128xf32>
    %select_n3A_550 = arith.select %le3A_541, %broadcast_in_dim3A_540, %broadcast_in_dim3A_519 : vector<1x128xi1>, vector<1x128xf32>
    %swap3A_551 = arith.constant 7 : index
    %swap3A_552 = arith.constant 0 : index
    %swap3A_553 = vector.load %arg7[%swap3A_551, %swap3A_552] : memref<16x128xf32, #tpu.memory_space<vmem>>, vector<1x128xf32>
    tpu.vector_store %arg7[%swap3A_551, %swap3A_552], %select_n3A_550 {strides = array<i32>} : memref<16x128xf32, #tpu.memory_space<vmem>>, vector<1x128xf32>,
    %select_n3A_554 = arith.select %le3A_541, %broadcast_in_dim3A_549, %broadcast_in_dim3A_527 : vector<1x128xi1>, vector<1x128xf32>
    %swap3A_555 = arith.constant 7 : index
    %swap3A_556 = arith.constant 0 : index
    %swap3A_557 = vector.load %arg8[%swap3A_555, %swap3A_556] : memref<16x128xf32, #tpu.memory_space<vmem>>, vector<1x128xf32>
    tpu.vector_store %arg8[%swap3A_555, %swap3A_556], %select_n3A_554 {strides = array<i32>} : memref<16x128xf32, #tpu.memory_space<vmem>>, vector<1x128xf32>,
    %jit3A_558 = arith.constant -1.000000e+00 : f32
    %broadcast_in_dim3A_559 = vector.broadcast %jit3A_558 : f32 to vector<1x128xf32>
    %select_n3A_560 = arith.select %le3A_541, %broadcast_in_dim3A_559, %broadcast_in_dim3A_527 : vector<1x128xi1>, vector<1x128xf32>
    %jit3A_561 = arith.constant -1.000000e+00 : f32
    %broadcast_in_dim3A_562 = vector.broadcast %jit3A_561 : f32 to vector<1x128xf32>
    %select_n3A_563 = arith.select %le3A_541, %broadcast_in_dim3A_549, %broadcast_in_dim3A_562 : vector<1x128xi1>, vector<1x128xf32>
    %eq3A_564 = vector.broadcast %select_n3A_560 : vector<1x128xf32> to vector<512x128xf32>
    %eq3A_565 = arith.cmpf oeq, %add3A_13, %eq3A_564 : vector<512x128xf32>
    %jit3A_566 = arith.constant 0x7F800000 : f32
    %broadcast_in_dim3A_567 = vector.broadcast %jit3A_566 : f32 to vector<512x128xf32>
    %select_n3A_568 = arith.select %eq3A_565, %broadcast_in_dim3A_567, %get3A_516 : vector<512x128xi1>, vector<512x128xf32>
    %swap3A_569 = arith.constant 0 : index
    %swap3A_570 = arith.constant 0 : index
    %swap3A_571 = vector.load %arg9[%swap3A_569, %swap3A_570] : memref<512x128xf32, #tpu.memory_space<vmem>>, vector<512x128xf32>
    tpu.vector_store %arg9[%swap3A_569, %swap3A_570], %select_n3A_568 {strides = array<i32>} : memref<512x128xf32, #tpu.memory_space<vmem>>, vector<512x128xf32>,
    %eq3A_572 = vector.broadcast %select_n3A_563 : vector<1x128xf32> to vector<16x128xf32>
    %eq3A_573 = arith.cmpf oeq, %get3A_537, %eq3A_572 : vector<16x128xf32>
    %jit3A_574 = arith.constant 0x7F800000 : f32
    %broadcast_in_dim3A_575 = vector.broadcast %jit3A_574 : f32 to vector<16x128xf32>
    %select_n3A_576 = arith.select %eq3A_573, %broadcast_in_dim3A_575, %get3A_532 : vector<16x128xi1>, vector<16x128xf32>
    %swap3A_577 = arith.index_cast %arg1 : i32 to index
    %swap3A_578 = arith.constant 0 : index
    %swap3A_579 = arith.constant 0 : index
    %swap3A_580 = vector.load %arg5[%swap3A_577, %swap3A_578, %swap3A_579] : memref<8x16x128xf32, #tpu.memory_space<vmem>>, vector<1x16x128xf32>
    %swap3A_581 = vector.shape_cast %swap3A_580 : vector<1x16x128xf32> to vector<16x128xf32>
    %swap3A_582 = vector.shape_cast %select_n3A_576 : vector<16x128xf32> to vector<1x16x128xf32>
    tpu.vector_store %arg5[%swap3A_577, %swap3A_578, %swap3A_579], %swap3A_582 {strides = array<i32>} : memref<8x16x128xf32, #tpu.memory_space<vmem>>, vector<1x16x128xf32>,
    %get3A_583 = arith.constant 0 : index
    %get3A_584 = arith.constant 0 : index
    %get3A_585 = vector.load %arg9[%get3A_583, %get3A_584] : memref<512x128xf32, #tpu.memory_space<vmem>>, vector<512x128xf32>
    %reduce_min3A_586 = arith.constant dense<0x7F800000> : vector<128xf32>
    %reduce_min3A_587 = vector.multi_reduction <minimumf>, %get3A_585, %reduce_min3A_586 [0] : vector<512x128xf32> to vector<128xf32>
    %broadcast_in_dim3A_588 = vector.shape_cast %reduce_min3A_587 : vector<128xf32> to vector<1x128xf32>
    %eq3A_589 = vector.broadcast %broadcast_in_dim3A_588 : vector<1x128xf32> to vector<512x128xf32>
    %eq3A_590 = arith.cmpf oeq, %get3A_585, %eq3A_589 : vector<512x128xf32>
    %jit3A_591 = arith.constant 1.000000e+30 : f32
    %broadcast_in_dim3A_592 = vector.broadcast %jit3A_591 : f32 to vector<512x128xf32>
    %select_n3A_593 = arith.select %eq3A_590, %add3A_13, %broadcast_in_dim3A_592 : vector<512x128xi1>, vector<512x128xf32>
    %reduce_min3A_594 = arith.constant dense<0x7F800000> : vector<128xf32>
    %reduce_min3A_595 = vector.multi_reduction <minimumf>, %select_n3A_593, %reduce_min3A_594 [0] : vector<512x128xf32> to vector<128xf32>
    %broadcast_in_dim3A_596 = vector.shape_cast %reduce_min3A_595 : vector<128xf32> to vector<1x128xf32>
    %get3A_597 = arith.index_cast %arg1 : i32 to index
    %get3A_598 = arith.constant 0 : index
    %get3A_599 = arith.constant 0 : index
    %get3A_600 = vector.load %arg5[%get3A_597, %get3A_598, %get3A_599] : memref<8x16x128xf32, #tpu.memory_space<vmem>>, vector<1x16x128xf32>
    %get3A_601 = vector.shape_cast %get3A_600 : vector<1x16x128xf32> to vector<16x128xf32>
    %get3A_602 = arith.index_cast %arg1 : i32 to index
    %get3A_603 = arith.constant 0 : index
    %get3A_604 = arith.constant 0 : index
    %get3A_605 = vector.load %arg6[%get3A_602, %get3A_603, %get3A_604] : memref<8x16x128xf32, #tpu.memory_space<vmem>>, vector<1x16x128xf32>
    %get3A_606 = vector.shape_cast %get3A_605 : vector<1x16x128xf32> to vector<16x128xf32>
    %reduce_min3A_607 = arith.constant dense<0x7F800000> : vector<128xf32>
    %reduce_min3A_608 = vector.multi_reduction <minimumf>, %get3A_601, %reduce_min3A_607 [0] : vector<16x128xf32> to vector<128xf32>
    %broadcast_in_dim3A_609 = vector.shape_cast %reduce_min3A_608 : vector<128xf32> to vector<1x128xf32>
    %le3A_610 = arith.cmpf ole, %broadcast_in_dim3A_609, %broadcast_in_dim3A_588 : vector<1x128xf32>
    %eq3A_611 = vector.broadcast %broadcast_in_dim3A_609 : vector<1x128xf32> to vector<16x128xf32>
    %eq3A_612 = arith.cmpf oeq, %get3A_601, %eq3A_611 : vector<16x128xf32>
    %jit3A_613 = arith.constant 1.000000e+30 : f32
    %broadcast_in_dim3A_614 = vector.broadcast %jit3A_613 : f32 to vector<16x128xf32>
    %select_n3A_615 = arith.select %eq3A_612, %get3A_606, %broadcast_in_dim3A_614 : vector<16x128xi1>, vector<16x128xf32>
    %reduce_min3A_616 = arith.constant dense<0x7F800000> : vector<128xf32>
    %reduce_min3A_617 = vector.multi_reduction <minimumf>, %select_n3A_615, %reduce_min3A_616 [0] : vector<16x128xf32> to vector<128xf32>
    %broadcast_in_dim3A_618 = vector.shape_cast %reduce_min3A_617 : vector<128xf32> to vector<1x128xf32>
    %select_n3A_619 = arith.select %le3A_610, %broadcast_in_dim3A_609, %broadcast_in_dim3A_588 : vector<1x128xi1>, vector<1x128xf32>
    %swap3A_620 = arith.constant 8 : index
    %swap3A_621 = arith.constant 0 : index
    %swap3A_622 = vector.load %arg7[%swap3A_620, %swap3A_621] : memref<16x128xf32, #tpu.memory_space<vmem>>, vector<1x128xf32>
    tpu.vector_store %arg7[%swap3A_620, %swap3A_621], %select_n3A_619 {strides = array<i32>} : memref<16x128xf32, #tpu.memory_space<vmem>>, vector<1x128xf32>,
    %select_n3A_623 = arith.select %le3A_610, %broadcast_in_dim3A_618, %broadcast_in_dim3A_596 : vector<1x128xi1>, vector<1x128xf32>
    %swap3A_624 = arith.constant 8 : index
    %swap3A_625 = arith.constant 0 : index
    %swap3A_626 = vector.load %arg8[%swap3A_624, %swap3A_625] : memref<16x128xf32, #tpu.memory_space<vmem>>, vector<1x128xf32>
    tpu.vector_store %arg8[%swap3A_624, %swap3A_625], %select_n3A_623 {strides = array<i32>} : memref<16x128xf32, #tpu.memory_space<vmem>>, vector<1x128xf32>,
    %jit3A_627 = arith.constant -1.000000e+00 : f32
    %broadcast_in_dim3A_628 = vector.broadcast %jit3A_627 : f32 to vector<1x128xf32>
    %select_n3A_629 = arith.select %le3A_610, %broadcast_in_dim3A_628, %broadcast_in_dim3A_596 : vector<1x128xi1>, vector<1x128xf32>
    %jit3A_630 = arith.constant -1.000000e+00 : f32
    %broadcast_in_dim3A_631 = vector.broadcast %jit3A_630 : f32 to vector<1x128xf32>
    %select_n3A_632 = arith.select %le3A_610, %broadcast_in_dim3A_618, %broadcast_in_dim3A_631 : vector<1x128xi1>, vector<1x128xf32>
    %eq3A_633 = vector.broadcast %select_n3A_629 : vector<1x128xf32> to vector<512x128xf32>
    %eq3A_634 = arith.cmpf oeq, %add3A_13, %eq3A_633 : vector<512x128xf32>
    %jit3A_635 = arith.constant 0x7F800000 : f32
    %broadcast_in_dim3A_636 = vector.broadcast %jit3A_635 : f32 to vector<512x128xf32>
    %select_n3A_637 = arith.select %eq3A_634, %broadcast_in_dim3A_636, %get3A_585 : vector<512x128xi1>, vector<512x128xf32>
    %swap3A_638 = arith.constant 0 : index
    %swap3A_639 = arith.constant 0 : index
    %swap3A_640 = vector.load %arg9[%swap3A_638, %swap3A_639] : memref<512x128xf32, #tpu.memory_space<vmem>>, vector<512x128xf32>
    tpu.vector_store %arg9[%swap3A_638, %swap3A_639], %select_n3A_637 {strides = array<i32>} : memref<512x128xf32, #tpu.memory_space<vmem>>, vector<512x128xf32>,
    %eq3A_641 = vector.broadcast %select_n3A_632 : vector<1x128xf32> to vector<16x128xf32>
    %eq3A_642 = arith.cmpf oeq, %get3A_606, %eq3A_641 : vector<16x128xf32>
    %jit3A_643 = arith.constant 0x7F800000 : f32
    %broadcast_in_dim3A_644 = vector.broadcast %jit3A_643 : f32 to vector<16x128xf32>
    %select_n3A_645 = arith.select %eq3A_642, %broadcast_in_dim3A_644, %get3A_601 : vector<16x128xi1>, vector<16x128xf32>
    %swap3A_646 = arith.index_cast %arg1 : i32 to index
    %swap3A_647 = arith.constant 0 : index
    %swap3A_648 = arith.constant 0 : index
    %swap3A_649 = vector.load %arg5[%swap3A_646, %swap3A_647, %swap3A_648] : memref<8x16x128xf32, #tpu.memory_space<vmem>>, vector<1x16x128xf32>
    %swap3A_650 = vector.shape_cast %swap3A_649 : vector<1x16x128xf32> to vector<16x128xf32>
    %swap3A_651 = vector.shape_cast %select_n3A_645 : vector<16x128xf32> to vector<1x16x128xf32>
    tpu.vector_store %arg5[%swap3A_646, %swap3A_647, %swap3A_648], %swap3A_651 {strides = array<i32>} : memref<8x16x128xf32, #tpu.memory_space<vmem>>, vector<1x16x128xf32>,
    %get3A_652 = arith.constant 0 : index
    %get3A_653 = arith.constant 0 : index
    %get3A_654 = vector.load %arg9[%get3A_652, %get3A_653] : memref<512x128xf32, #tpu.memory_space<vmem>>, vector<512x128xf32>
    %reduce_min3A_655 = arith.constant dense<0x7F800000> : vector<128xf32>
    %reduce_min3A_656 = vector.multi_reduction <minimumf>, %get3A_654, %reduce_min3A_655 [0] : vector<512x128xf32> to vector<128xf32>
    %broadcast_in_dim3A_657 = vector.shape_cast %reduce_min3A_656 : vector<128xf32> to vector<1x128xf32>
    %eq3A_658 = vector.broadcast %broadcast_in_dim3A_657 : vector<1x128xf32> to vector<512x128xf32>
    %eq3A_659 = arith.cmpf oeq, %get3A_654, %eq3A_658 : vector<512x128xf32>
    %jit3A_660 = arith.constant 1.000000e+30 : f32
    %broadcast_in_dim3A_661 = vector.broadcast %jit3A_660 : f32 to vector<512x128xf32>
    %select_n3A_662 = arith.select %eq3A_659, %add3A_13, %broadcast_in_dim3A_661 : vector<512x128xi1>, vector<512x128xf32>
    %reduce_min3A_663 = arith.constant dense<0x7F800000> : vector<128xf32>
    %reduce_min3A_664 = vector.multi_reduction <minimumf>, %select_n3A_662, %reduce_min3A_663 [0] : vector<512x128xf32> to vector<128xf32>
    %broadcast_in_dim3A_665 = vector.shape_cast %reduce_min3A_664 : vector<128xf32> to vector<1x128xf32>
    %get3A_666 = arith.index_cast %arg1 : i32 to index
    %get3A_667 = arith.constant 0 : index
    %get3A_668 = arith.constant 0 : index
    %get3A_669 = vector.load %arg5[%get3A_666, %get3A_667, %get3A_668] : memref<8x16x128xf32, #tpu.memory_space<vmem>>, vector<1x16x128xf32>
    %get3A_670 = vector.shape_cast %get3A_669 : vector<1x16x128xf32> to vector<16x128xf32>
    %get3A_671 = arith.index_cast %arg1 : i32 to index
    %get3A_672 = arith.constant 0 : index
    %get3A_673 = arith.constant 0 : index
    %get3A_674 = vector.load %arg6[%get3A_671, %get3A_672, %get3A_673] : memref<8x16x128xf32, #tpu.memory_space<vmem>>, vector<1x16x128xf32>
    %get3A_675 = vector.shape_cast %get3A_674 : vector<1x16x128xf32> to vector<16x128xf32>
    %reduce_min3A_676 = arith.constant dense<0x7F800000> : vector<128xf32>
    %reduce_min3A_677 = vector.multi_reduction <minimumf>, %get3A_670, %reduce_min3A_676 [0] : vector<16x128xf32> to vector<128xf32>
    %broadcast_in_dim3A_678 = vector.shape_cast %reduce_min3A_677 : vector<128xf32> to vector<1x128xf32>
    %le3A_679 = arith.cmpf ole, %broadcast_in_dim3A_678, %broadcast_in_dim3A_657 : vector<1x128xf32>
    %eq3A_680 = vector.broadcast %broadcast_in_dim3A_678 : vector<1x128xf32> to vector<16x128xf32>
    %eq3A_681 = arith.cmpf oeq, %get3A_670, %eq3A_680 : vector<16x128xf32>
    %jit3A_682 = arith.constant 1.000000e+30 : f32
    %broadcast_in_dim3A_683 = vector.broadcast %jit3A_682 : f32 to vector<16x128xf32>
    %select_n3A_684 = arith.select %eq3A_681, %get3A_675, %broadcast_in_dim3A_683 : vector<16x128xi1>, vector<16x128xf32>
    %reduce_min3A_685 = arith.constant dense<0x7F800000> : vector<128xf32>
    %reduce_min3A_686 = vector.multi_reduction <minimumf>, %select_n3A_684, %reduce_min3A_685 [0] : vector<16x128xf32> to vector<128xf32>
    %broadcast_in_dim3A_687 = vector.shape_cast %reduce_min3A_686 : vector<128xf32> to vector<1x128xf32>
    %select_n3A_688 = arith.select %le3A_679, %broadcast_in_dim3A_678, %broadcast_in_dim3A_657 : vector<1x128xi1>, vector<1x128xf32>
    %swap3A_689 = arith.constant 9 : index
    %swap3A_690 = arith.constant 0 : index
    %swap3A_691 = vector.load %arg7[%swap3A_689, %swap3A_690] : memref<16x128xf32, #tpu.memory_space<vmem>>, vector<1x128xf32>
    tpu.vector_store %arg7[%swap3A_689, %swap3A_690], %select_n3A_688 {strides = array<i32>} : memref<16x128xf32, #tpu.memory_space<vmem>>, vector<1x128xf32>,
    %select_n3A_692 = arith.select %le3A_679, %broadcast_in_dim3A_687, %broadcast_in_dim3A_665 : vector<1x128xi1>, vector<1x128xf32>
    %swap3A_693 = arith.constant 9 : index
    %swap3A_694 = arith.constant 0 : index
    %swap3A_695 = vector.load %arg8[%swap3A_693, %swap3A_694] : memref<16x128xf32, #tpu.memory_space<vmem>>, vector<1x128xf32>
    tpu.vector_store %arg8[%swap3A_693, %swap3A_694], %select_n3A_692 {strides = array<i32>} : memref<16x128xf32, #tpu.memory_space<vmem>>, vector<1x128xf32>,
    %jit3A_696 = arith.constant -1.000000e+00 : f32
    %broadcast_in_dim3A_697 = vector.broadcast %jit3A_696 : f32 to vector<1x128xf32>
    %select_n3A_698 = arith.select %le3A_679, %broadcast_in_dim3A_697, %broadcast_in_dim3A_665 : vector<1x128xi1>, vector<1x128xf32>
    %jit3A_699 = arith.constant -1.000000e+00 : f32
    %broadcast_in_dim3A_700 = vector.broadcast %jit3A_699 : f32 to vector<1x128xf32>
    %select_n3A_701 = arith.select %le3A_679, %broadcast_in_dim3A_687, %broadcast_in_dim3A_700 : vector<1x128xi1>, vector<1x128xf32>
    %eq3A_702 = vector.broadcast %select_n3A_698 : vector<1x128xf32> to vector<512x128xf32>
    %eq3A_703 = arith.cmpf oeq, %add3A_13, %eq3A_702 : vector<512x128xf32>
    %jit3A_704 = arith.constant 0x7F800000 : f32
    %broadcast_in_dim3A_705 = vector.broadcast %jit3A_704 : f32 to vector<512x128xf32>
    %select_n3A_706 = arith.select %eq3A_703, %broadcast_in_dim3A_705, %get3A_654 : vector<512x128xi1>, vector<512x128xf32>
    %swap3A_707 = arith.constant 0 : index
    %swap3A_708 = arith.constant 0 : index
    %swap3A_709 = vector.load %arg9[%swap3A_707, %swap3A_708] : memref<512x128xf32, #tpu.memory_space<vmem>>, vector<512x128xf32>
    tpu.vector_store %arg9[%swap3A_707, %swap3A_708], %select_n3A_706 {strides = array<i32>} : memref<512x128xf32, #tpu.memory_space<vmem>>, vector<512x128xf32>,
    %eq3A_710 = vector.broadcast %select_n3A_701 : vector<1x128xf32> to vector<16x128xf32>
    %eq3A_711 = arith.cmpf oeq, %get3A_675, %eq3A_710 : vector<16x128xf32>
    %jit3A_712 = arith.constant 0x7F800000 : f32
    %broadcast_in_dim3A_713 = vector.broadcast %jit3A_712 : f32 to vector<16x128xf32>
    %select_n3A_714 = arith.select %eq3A_711, %broadcast_in_dim3A_713, %get3A_670 : vector<16x128xi1>, vector<16x128xf32>
    %swap3A_715 = arith.index_cast %arg1 : i32 to index
    %swap3A_716 = arith.constant 0 : index
    %swap3A_717 = arith.constant 0 : index
    %swap3A_718 = vector.load %arg5[%swap3A_715, %swap3A_716, %swap3A_717] : memref<8x16x128xf32, #tpu.memory_space<vmem>>, vector<1x16x128xf32>
    %swap3A_719 = vector.shape_cast %swap3A_718 : vector<1x16x128xf32> to vector<16x128xf32>
    %swap3A_720 = vector.shape_cast %select_n3A_714 : vector<16x128xf32> to vector<1x16x128xf32>
    tpu.vector_store %arg5[%swap3A_715, %swap3A_716, %swap3A_717], %swap3A_720 {strides = array<i32>} : memref<8x16x128xf32, #tpu.memory_space<vmem>>, vector<1x16x128xf32>,
    %get3A_721 = arith.constant 0 : index
    %get3A_722 = arith.constant 0 : index
    %get3A_723 = vector.load %arg7[%get3A_721, %get3A_722] : memref<16x128xf32, #tpu.memory_space<vmem>>, vector<16x128xf32>
    %swap3A_724 = arith.index_cast %arg1 : i32 to index
    %swap3A_725 = arith.constant 0 : index
    %swap3A_726 = arith.constant 0 : index
    %swap3A_727 = vector.load %arg5[%swap3A_724, %swap3A_725, %swap3A_726] : memref<8x16x128xf32, #tpu.memory_space<vmem>>, vector<1x16x128xf32>
    %swap3A_728 = vector.shape_cast %swap3A_727 : vector<1x16x128xf32> to vector<16x128xf32>
    %swap3A_729 = vector.shape_cast %get3A_723 : vector<16x128xf32> to vector<1x16x128xf32>
    tpu.vector_store %arg5[%swap3A_724, %swap3A_725, %swap3A_726], %swap3A_729 {strides = array<i32>} : memref<8x16x128xf32, #tpu.memory_space<vmem>>, vector<1x16x128xf32>,
    %get3A_730 = arith.constant 0 : index
    %get3A_731 = arith.constant 0 : index
    %get3A_732 = vector.load %arg8[%get3A_730, %get3A_731] : memref<16x128xf32, #tpu.memory_space<vmem>>, vector<16x128xf32>
    %swap3A_733 = arith.index_cast %arg1 : i32 to index
    %swap3A_734 = arith.constant 0 : index
    %swap3A_735 = arith.constant 0 : index
    %swap3A_736 = vector.load %arg6[%swap3A_733, %swap3A_734, %swap3A_735] : memref<8x16x128xf32, #tpu.memory_space<vmem>>, vector<1x16x128xf32>
    %swap3A_737 = vector.shape_cast %swap3A_736 : vector<1x16x128xf32> to vector<16x128xf32>
    %swap3A_738 = vector.shape_cast %get3A_732 : vector<16x128xf32> to vector<1x16x128xf32>
    tpu.vector_store %arg6[%swap3A_733, %swap3A_734, %swap3A_735], %swap3A_738 {strides = array<i32>} : memref<8x16x128xf32, #tpu.memory_space<vmem>>, vector<1x16x128xf32>,
    %eq3A_739 = arith.constant 195 : i32
    %eq3A_740 = arith.cmpi eq, %arg0, %eq3A_739 : i32
    %convert_element_type3A_741 = arith.extui %eq3A_740 : i1 to i32
    %cond3A_742 = arith.constant 0 : i32
    %cond3A_743 = arith.cmpi ne, %convert_element_type3A_741, %cond3A_742 : i32
    scf.if %cond3A_743 {
      %get3A_744 = arith.constant 0 : index
      %get3A_745 = arith.constant 0 : index
      %get3A_746 = vector.load %arg8[%get3A_744, %get3A_745] : memref<16x128xf32, #tpu.memory_space<vmem>>, vector<16x128xf32>
      %convert_element_type3A_747 = arith.fptosi %get3A_746 : vector<16x128xf32> to vector<16x128xi32>
      %swap3A_748 = arith.constant 0 : index
      %swap3A_749 = arith.constant 0 : index
      %swap3A_750 = vector.load %arg4[%swap3A_748, %swap3A_749] : memref<16x128xi32, #tpu.memory_space<vmem>>, vector<16x128xi32>
      tpu.vector_store %arg4[%swap3A_748, %swap3A_749], %convert_element_type3A_747 {strides = array<i32>} : memref<16x128xi32, #tpu.memory_space<vmem>>, vector<16x128xi32>,
    } else {
    }
    return
  }
  func.func @transform_0(%arg0: i32, %arg1: i32) -> (i32, i32) {
    %c0_i32 = arith.constant 0 : i32
    %c0_i32_0 = arith.constant 0 : i32
    return %arg1, %c0_i32 : i32, i32
  }
  func.func @transform_1(%arg0: i32, %arg1: i32) -> (i32, i32) {
    %c0_i32 = arith.constant 0 : i32
    %c0_i32_0 = arith.constant 0 : i32
    return %arg0, %c0_i32 : i32, i32
  }
  func.func @transform_2(%arg0: i32, %arg1: i32) -> (i32, i32) {
    %c0_i32 = arith.constant 0 : i32
    %c0_i32_0 = arith.constant 0 : i32
    return %c0_i32, %arg1 : i32, i32
  }
}

module attributes {stable_mosaic.version = 14 : i64} {
  func.func @_mean_argmax_body(%arg0: memref<10x1024x64xf32, #tpu.memory_space<vmem>>, %arg1: memref<1024x64xf32, #tpu.memory_space<vmem>>, %arg2: memref<1024x1xi32, #tpu.memory_space<vmem>>) attributes {dimension_semantics = [], scalar_prefetch = 0 : i64, scratch_operands = 0 : i64, tpu.core_type = #tpu.core_type<tc>} {
    %get3A = arith.constant 0 : index
    %get3A_0 = arith.constant 0 : index
    %get3A_1 = arith.constant 0 : index
    %get3A_2 = vector.load %arg0[%get3A, %get3A_0, %get3A_1] : memref<10x1024x64xf32, #tpu.memory_space<vmem>>, vector<1x1024x64xf32>
    %get3A_3 = vector.shape_cast %get3A_2 : vector<1x1024x64xf32> to vector<1024x64xf32>
    %get3A_4 = arith.constant 1 : index
    %get3A_5 = arith.constant 0 : index
    %get3A_6 = arith.constant 0 : index
    %get3A_7 = vector.load %arg0[%get3A_4, %get3A_5, %get3A_6] : memref<10x1024x64xf32, #tpu.memory_space<vmem>>, vector<1x1024x64xf32>
    %get3A_8 = vector.shape_cast %get3A_7 : vector<1x1024x64xf32> to vector<1024x64xf32>
    %add3A = arith.addf %get3A_3, %get3A_8 : vector<1024x64xf32>
    %get3A_9 = arith.constant 2 : index
    %get3A_10 = arith.constant 0 : index
    %get3A_11 = arith.constant 0 : index
    %get3A_12 = vector.load %arg0[%get3A_9, %get3A_10, %get3A_11] : memref<10x1024x64xf32, #tpu.memory_space<vmem>>, vector<1x1024x64xf32>
    %get3A_13 = vector.shape_cast %get3A_12 : vector<1x1024x64xf32> to vector<1024x64xf32>
    %add3A_14 = arith.addf %add3A, %get3A_13 : vector<1024x64xf32>
    %get3A_15 = arith.constant 3 : index
    %get3A_16 = arith.constant 0 : index
    %get3A_17 = arith.constant 0 : index
    %get3A_18 = vector.load %arg0[%get3A_15, %get3A_16, %get3A_17] : memref<10x1024x64xf32, #tpu.memory_space<vmem>>, vector<1x1024x64xf32>
    %get3A_19 = vector.shape_cast %get3A_18 : vector<1x1024x64xf32> to vector<1024x64xf32>
    %add3A_20 = arith.addf %add3A_14, %get3A_19 : vector<1024x64xf32>
    %get3A_21 = arith.constant 4 : index
    %get3A_22 = arith.constant 0 : index
    %get3A_23 = arith.constant 0 : index
    %get3A_24 = vector.load %arg0[%get3A_21, %get3A_22, %get3A_23] : memref<10x1024x64xf32, #tpu.memory_space<vmem>>, vector<1x1024x64xf32>
    %get3A_25 = vector.shape_cast %get3A_24 : vector<1x1024x64xf32> to vector<1024x64xf32>
    %add3A_26 = arith.addf %add3A_20, %get3A_25 : vector<1024x64xf32>
    %get3A_27 = arith.constant 5 : index
    %get3A_28 = arith.constant 0 : index
    %get3A_29 = arith.constant 0 : index
    %get3A_30 = vector.load %arg0[%get3A_27, %get3A_28, %get3A_29] : memref<10x1024x64xf32, #tpu.memory_space<vmem>>, vector<1x1024x64xf32>
    %get3A_31 = vector.shape_cast %get3A_30 : vector<1x1024x64xf32> to vector<1024x64xf32>
    %add3A_32 = arith.addf %add3A_26, %get3A_31 : vector<1024x64xf32>
    %get3A_33 = arith.constant 6 : index
    %get3A_34 = arith.constant 0 : index
    %get3A_35 = arith.constant 0 : index
    %get3A_36 = vector.load %arg0[%get3A_33, %get3A_34, %get3A_35] : memref<10x1024x64xf32, #tpu.memory_space<vmem>>, vector<1x1024x64xf32>
    %get3A_37 = vector.shape_cast %get3A_36 : vector<1x1024x64xf32> to vector<1024x64xf32>
    %add3A_38 = arith.addf %add3A_32, %get3A_37 : vector<1024x64xf32>
    %get3A_39 = arith.constant 7 : index
    %get3A_40 = arith.constant 0 : index
    %get3A_41 = arith.constant 0 : index
    %get3A_42 = vector.load %arg0[%get3A_39, %get3A_40, %get3A_41] : memref<10x1024x64xf32, #tpu.memory_space<vmem>>, vector<1x1024x64xf32>
    %get3A_43 = vector.shape_cast %get3A_42 : vector<1x1024x64xf32> to vector<1024x64xf32>
    %add3A_44 = arith.addf %add3A_38, %get3A_43 : vector<1024x64xf32>
    %get3A_45 = arith.constant 8 : index
    %get3A_46 = arith.constant 0 : index
    %get3A_47 = arith.constant 0 : index
    %get3A_48 = vector.load %arg0[%get3A_45, %get3A_46, %get3A_47] : memref<10x1024x64xf32, #tpu.memory_space<vmem>>, vector<1x1024x64xf32>
    %get3A_49 = vector.shape_cast %get3A_48 : vector<1x1024x64xf32> to vector<1024x64xf32>
    %add3A_50 = arith.addf %add3A_44, %get3A_49 : vector<1024x64xf32>
    %get3A_51 = arith.constant 9 : index
    %get3A_52 = arith.constant 0 : index
    %get3A_53 = arith.constant 0 : index
    %get3A_54 = vector.load %arg0[%get3A_51, %get3A_52, %get3A_53] : memref<10x1024x64xf32, #tpu.memory_space<vmem>>, vector<1x1024x64xf32>
    %get3A_55 = vector.shape_cast %get3A_54 : vector<1x1024x64xf32> to vector<1024x64xf32>
    %add3A_56 = arith.addf %add3A_50, %get3A_55 : vector<1024x64xf32>
    %mul3A = arith.constant 1.000000e-01 : f32
    %mul3A_57 = vector.broadcast %mul3A : f32 to vector<1024x64xf32>
    %mul3A_58 = arith.mulf %add3A_56, %mul3A_57 : vector<1024x64xf32>
    %swap3A = arith.constant 0 : index
    %swap3A_59 = arith.constant 0 : index
    %swap3A_60 = vector.load %arg1[%swap3A, %swap3A_59] : memref<1024x64xf32, #tpu.memory_space<vmem>>, vector<1024x64xf32>
    tpu.vector_store %arg1[%swap3A, %swap3A_59], %mul3A_58 {strides = array<i32>} : memref<1024x64xf32, #tpu.memory_space<vmem>>, vector<1024x64xf32>,
    %reduce_max3A = arith.constant dense<0xFF800000> : vector<1024xf32>
    %reduce_max3A_61 = vector.multi_reduction <maximumf>, %mul3A_58, %reduce_max3A [1] : vector<1024x64xf32> to vector<1024xf32>
    %broadcast_in_dim3A = vector.shape_cast %reduce_max3A_61 : vector<1024xf32> to vector<1024x1xf32>
    %iota3A = tpu.iota {dimensions = array<i32: 1>} : vector<1024x64xi32>
    %eq3A = vector.broadcast %broadcast_in_dim3A : vector<1024x1xf32> to vector<1024x64xf32>
    %eq3A_62 = arith.cmpf oeq, %mul3A_58, %eq3A : vector<1024x64xf32>
    %jit3A = arith.constant 64 : i32
    %broadcast_in_dim3A_63 = vector.broadcast %jit3A : i32 to vector<1024x64xi32>
    %select_n3A = arith.select %eq3A_62, %iota3A, %broadcast_in_dim3A_63 : vector<1024x64xi1>, vector<1024x64xi32>
    %reduce_min3A = arith.constant dense<2147483647> : vector<1024xi32>
    %reduce_min3A_64 = vector.multi_reduction <minsi>, %select_n3A, %reduce_min3A [1] : vector<1024x64xi32> to vector<1024xi32>
    %broadcast_in_dim3A_65 = vector.shape_cast %reduce_min3A_64 : vector<1024xi32> to vector<1024x1xi32>
    %swap3A_66 = arith.constant 0 : index
    %swap3A_67 = arith.constant 0 : index
    %swap3A_68 = vector.load %arg2[%swap3A_66, %swap3A_67] : memref<1024x1xi32, #tpu.memory_space<vmem>>, vector<1024x1xi32>
    tpu.vector_store %arg2[%swap3A_66, %swap3A_67], %broadcast_in_dim3A_65 {strides = array<i32>} : memref<1024x1xi32, #tpu.memory_space<vmem>>, vector<1024x1xi32>,
    return
  }
}

</mosaic_0001>

<sc_bundles>
// kernel: kernel.5.cloned.1.call-start
scs
__scs_entry_jumppad:
0x0: {  	(pc) =	sbr.rel $0x88, $3  }
0x1: {  	(tag) =	ssettag $0x0;
	lr =	simm.s32 $0x1  }
0x2: {  	[smem:$0x3F9E] =	sst lr;
	_ =	strace $0xD0000000  }
0x3: {  	_ = 	snop  }
0x4: {  	_ = 	snop  }
0x5: {  	_ = 	snop  }
0x6: {  	_ = 	snop  }
0x7: {  	_ = 	snop  }
__scs_overlays_trampoline_lowered:
0x8: {  	[smem:$0x3FAD] =	sst s0  }
0x9: {  	[smem:$0x3FAE] =	sst s1  }
0xa: {  	[smem:$0x3FAF] =	sst s2  }
0xb: {  	[smem:$0x3FB0] =	sst s3  }
0xc: {  	[smem:$0x3FB1] =	sst s4  }
0xd: {  	[smem:$0x3FB2] =	sst s5  }
0xe: {  	[smem:$0x3FB3] =	sst s6  }
0xf: {  	[smem:$0x3FB4] =	sst s7  }
0x10: {  	[smem:$0x3FB5] =	sst s8  }
0x11: {  	[smem:$0x3FB6] =	sst s9;
	s0 =	simm.s32 @!p0 $0x0  }
0x12: {  	s1 =	sld [smem:$0x3F9C];
	s0 =	simm.s32 @p0 $0x1  }
0x13: {  	[smem:$0x3FB7] =	sst s0;
	s0 =	simm.s32 @!p1 $0x0  }
0x14: {  	s2 =	sld [smem:$0x3F9B];
	s0 =	simm.s32 @p1 $0x1  }
0x15: {  	[smem:$0x3FB8] =	sst s0;
	s0 =	simm.s32 @!p2 $0x0  }
0x16: {  	s3 =	sld [smem:$0x3FDB];
	s0 =	simm.s32 @p2 $0x1  }
0x17: {  	s4 =	simm.s32 $0x1BF5;
	[smem:$0x3FBA] =	sst s0  }
0x18: {  	s0 =	sld [smem:$0x3F9D];
	_ =	swait.ge [sflag:s4], $0x0  }
0x19: {  	s7 =	sld [smem:$0x3F9E]  }
0x1a: {  	s8 =	sadd.s32 $0xFFFFE003, lr  }
0x1b: {  	s9 =	sadd.s32 $0xFFFFFEF7, lr;
	s5 =	simm.s32 $0xFFFFFFFF;
	p2 =	slt.u32 s8, $0xFFFFF086  }
0x1c: {  	p1 =	slt.u32 s9, $0xF7A;
	s5 =	simm.s32 @!p2 $0x0  }
0x1d: {  	s5 =	simm.s32 @p1 $0x1;
	p0 =	seq.s32 s7, s2  }
0x1e: {  	s7 =	smul.u32 @!p0 $0xF7A, s2;
	p2 =	seq.s32 @!p0 s5, $0x0  }
0x1f: {  	s9 =	smul.u32 $0xF7A, s1;
	s8 =	simm.s32 @!p0 $0x1BF5;
	p2 =	por !p2, p0  }
0x20: {  	[sflag:s8] =	ssyncset.s32 @!p0 $0xFFFFF086;
	s6 =	sadd.s32 @!p0 s3, s7;
	s7 =	simm.s32 @!p0 $0x108  }
0x21: {  	s3 =	sadd.s32 s3, s9;
	s6 =	sadd.s32 @!p0 $0x88, s6;
	s7 =	simm.s32 @p2 $0x1082  }
0x22: {  	[simem:s7], [sflag:s8] =	dma.local @!p0 [hbm:s6], $0xF7A  }
0x23: {  	s9 =	sor.u32 $0xD0000000, s2;
	s6 =	simm.s32 $0x108;
	_ =	swait.ge @!p0 [sflag:s8], $0x0  }
0x24: {  	s3 =	sadd.s32 $0x88, s3;
	s6 =	simm.s32 @!p1 $0x1082;
	[sflag:s4] =	ssyncset.s32 $0xFFFFF086  }
0x25: {  	[simem:s6], [sflag:s4] =	dma.local [hbm:s3], $0xF7A  }
0x26: {  	[smem:$0x3F9E] =	sst s1;
	(tag) =	ssettag s2;
	_ =	strace s9  }
0x27: {  	s1 =	sld [smem:$0x3FAE]  }
0x28: {  	s2 =	sld [smem:$0x3FAF]  }
0x29: {  	s4 =	sld [smem:$0x3FB1]  }
0x2a: {  	p0 =	seq.s32 s5, $0x0;
	s5 =	sld [smem:$0x3FB2]  }
0x2b: {  	s6 =	sld [smem:$0x3FB3]  }
0x2c: {  	s7 =	sld [smem:$0x3FB4]  }
0x2d: {  	s3 =	simm.s32 $0x108;
	s8 =	sld [smem:$0x3FB5]  }
0x2e: {  	s3 =	simm.s32 @!p0 $0x1082;
	s9 =	sld [smem:$0x3FB6]  }
0x2f: {  	lr =	sadd.s32 s0, s3;
	s0 =	sld [smem:$0x3FAD]  }
0x30: {  	s3 =	sld [smem:$0x3FB0]  }
0x31: {  	[smem:$0x3FB9] =	sst s10  }
0x32: {  	s10 =	sld [smem:$0x3FB7];
	_ =	sdelay $0x3  }
0x33: {  	p0 =	seq.s32 s10, $0x1;
	s10 =	sld [smem:$0x3FB9];
	_ =	sdelay $0x3  }
0x34: {  	[smem:$0x3FB9] =	sst s10  }
0x35: {  	s10 =	sld [smem:$0x3FB8];
	_ =	sdelay $0x3  }
0x36: {  	p1 =	seq.s32 s10, $0x1;
	s10 =	sld [smem:$0x3FB9];
	_ =	sdelay $0x3  }
0x37: {  	[smem:$0x3FB9] =	sst s10  }
0x38: {  	s10 =	sld [smem:$0x3FBA]  }
0x39: {  	_ = 	snop;
	(pc) =	sbr.ind lr, $3  }
0x3a: {  	_ = 	snop  }
0x3b: {  	_ = 	snop  }
0x3c: {  	p2 =	seq.s32 s10, $0x1;
	s10 =	sld [smem:$0x3FB9]  }
0x3d: {  	_ =	shalt  }
0x3e: {  	_ =	shalt  }
0x3f: {  	_ =	shalt  }
0x40: {  	_ =	shalt  }
0x41: {  	_ =	shalt  }
0x42: {  	_ =	shalt  }
0x43: {  	_ =	shalt  }
0x44: {  	_ =	shalt  }
0x45: {  	_ =	shalt  }
0x46: {  	_ =	shalt  }
0x47: {  	_ =	shalt  }
0x48: {  	_ =	shalt  }
0x49: {  	_ =	shalt  }
0x4a: {  	_ =	shalt  }
0x4b: {  	_ =	shalt  }
0x4c: {  	_ =	shalt  }
0x4d: {  	_ =	shalt  }
0x4e: {  	_ =	shalt  }
0x4f: {  	_ =	shalt  }
0x50: {  	_ =	shalt  }
0x51: {  	_ =	shalt  }
0x52: {  	_ =	shalt  }
0x53: {  	_ =	shalt  }
0x54: {  	_ =	shalt  }
0x55: {  	_ =	shalt  }
0x56: {  	_ =	shalt  }
0x57: {  	_ =	shalt  }
0x58: {  	_ =	shalt  }
0x59: {  	_ =	shalt  }
0x5a: {  	_ =	shalt  }
0x5b: {  	_ =	shalt  }
0x5c: {  	_ =	shalt  }
0x5d: {  	_ =	shalt  }
0x5e: {  	_ =	shalt  }
0x5f: {  	_ =	shalt  }
0x60: {  	_ =	shalt  }
0x61: {  	_ =	shalt  }
0x62: {  	_ =	shalt  }
0x63: {  	_ =	shalt  }
0x64: {  	_ =	shalt  }
0x65: {  	_ =	shalt  }
0x66: {  	_ =	shalt  }
0x67: {  	_ =	shalt  }
0x68: {  	_ =	shalt  }
0x69: {  	_ =	shalt  }
0x6a: {  	_ =	shalt  }
0x6b: {  	_ =	shalt  }
0x6c: {  	_ =	shalt  }
0x6d: {  	_ =	shalt  }
0x6e: {  	_ =	shalt  }
0x6f: {  	_ =	shalt  }
0x70: {  	_ =	shalt  }
0x71: {  	_ =	shalt  }
0x72: {  	_ =	shalt  }
0x73: {  	_ =	shalt  }
0x74: {  	_ =	shalt  }
0x75: {  	_ =	shalt  }
0x76: {  	_ =	shalt  }
0x77: {  	_ =	shalt  }
0x78: {  	_ =	shalt  }
0x79: {  	_ =	shalt  }
0x7a: {  	_ =	shalt  }
0x7b: {  	_ =	shalt  }
0x7c: {  	_ =	shalt  }
0x7d: {  	_ =	shalt  }
0x7e: {  	_ =	shalt  }
0x7f: {  	_ =	shalt  }
0x80: {  	_ =	shalt  }
0x81: {  	_ =	shalt  }
0x82: {  	_ =	shalt  }
0x83: {  	_ =	shalt  }
0x84: {  	_ =	shalt  }
0x85: {  	_ =	shalt  }
0x86: {  	_ =	shalt  }
0x87: {  	_ =	shalt  }
.Lfunc_end0:
.L_simem_size_0:
called_computation_lowered:
.L_overlay_start_0:
0x88: {  	s2 =	sld [smem:$0x3FD9]  }
0x89: {  	s3 =	sld [smem:$0x3FFE];
	_ =	sdelay $0x1  }
0x8a: {  	s1 =	srdreg.scid  }
0x8b: {  	s0 =	sand.u32 $0x1, s1  }
0x8c: {  	s14 =	sshll.u32 s0, $0xA;
	s2 =	sadd.s32 s3, s2  }
0x8d: {  	s2 =	sadd.s32 s2, s14  }
0x8e: {  	[smem:$0x3FC5] =	sst s2  }
0x8f: {  	_ = 	snop  }
0x90: {  	s2 =	sld [smem:$0x3FD0];
	_ =	sdelay $0x2  }
0x91: {  	s15 =	simm.s32 $0xA;
	s4 =	simm.s32 $0x10  }
0x92: {  	[smem:s4], [sflag:s15] =	dma.local [hbm:s2], $0x1  }
0x93: {  	_ =	swait.eq [sflag:s15], $0x1  }
0x94: {  	[sflag:s15] =	ssyncset.done $0x0  }
0x95: {  	[sflag:s15] =	ssyncadd.s32 $0xFFFFFFFF  }
0x96: {  	s16 =	sld [smem:$0x11];
	(tm) =	ssettm $0x1  }
0x97: {  	s17 =	sld [smem:$0x3FFB];
	_ =	sdelay $0x3  }
0x98: {  	_ =	strace s17  }
0x99: {  	s3 =	sld [smem:$0x3FFC];
	_ =	sdelay $0x3  }
0x9a: {  	_ =	strace s3  }
0x9b: {  	s3 =	sld [smem:$0x3FFD];
	_ =	sdelay $0x3  }
0x9c: {  	_ =	strace s3  }
0x9d: {  	_ =	strace $0x8FFFFFFF  }
0x9e: {  	s18 =	sld [smem:$0x3FDB];
	_ =	sdelay $0x1  }
0x9f: {  	s19 =	simm.s32 $_scs_section_size  }
0xa0: {  	s5 =	simm.s32 $_size__tile_overlayer_lowered;
	s6 =	simm.s32 $_tile_overlayer_lowered  }
0xa1: {  	s22 =	simm.s32 $0x1BFF;
	s21 =	sshll.u32 s6, $0x1;
	s3 =	sadd.s32 s19, s18  }
0xa2: {  	s7 =	simm.s32 $0x0;
	s20 =	sshll.u32 s5, $0x1;
	s5 =	sadd.s32 s21, s3  }
0xa3: {  	[timem:s7], [sflag:s22] =	dma.local [hbm:s5], s20  }
0xa4: {  	_ =	swait.ge [sflag:s22], s20  }
0xa5: {  	s4 =	ssub.s32 $0x0, s20;
	[sflag:s22] =	ssyncset.done $0x0  }
0xa6: {  	[sflag:s22] =	ssyncadd.s32 s4;
	_ =	sdelay $0x1  }
0xa7: {  	s23 =	simm.s32 $0x1B8B  }
0xa8: {  	_ =	swait.ge [sflag:s23], $0x1  }
0xa9: {  	[sflag:s23] =	ssyncset.done $0x0  }
0xaa: {  	s25 =	simm.s32 $0x1B8E;
	s24 =	sld [smem:$0x3FFE];
	[sflag:s23] =	ssyncadd.s32 $0xFFFFFFFF  }
0xab: {  	s26 =	simm.s32 $execute0_lowered;
	[smem:$0x3FD2] =	sst s25  }
0xac: {  	s5 =	sshll.u32 s26, $0x1;
	_ =	strace $0x80000046;
	[dreg:$0x1] =	wrdreg $0xFFFFFFFF  }
0xad: {  	s28 =	simm.s32 $_size_execute0_lowered;
	s3 =	sadd.s32 s3, s5;
	[dreg:$0x0] =	wrdreg $0x0  }
0xae: {  	s5 =	sshll.u32 s28, $0x1;
	[dreg:$0x2] =	wrdreg s3  }
0xaf: {  	[dreg:$0x3] =	wrdreg s5  }
0xb0: {  	[dreg:$0x4] =	wrdreg $0xC0  }
0xb1: {  	_ =	task [dreg:s7], $0x5FFFF  }
0xb2: {  	[dreg:$0x1] =	wrdreg $0xFFFFFFFF  }
0xb3: {  	[dreg:$0x0] =	wrdreg $0x60  }
0xb4: {  	[dreg:$0x2] =	wrdreg s16  }
0xb5: {  	[dreg:$0x3] =	wrdreg s24  }
0xb6: {  	[dreg:$0x4] =	wrdreg $0x9  }
0xb7: {  	_ =	task.clear_ibuf [dreg:s7], $0x5FFFF;
	_ =	strace $0x90000046  }
0xb8: {  	s29 =	simm.s32 $0x9;
	_ =	strace $0x80000048  }
0xb9: {  	_ =	swait.ge [sflag:s29], $0x1  }
0xba: {  	[sflag:s29] =	ssyncadd.s32 $0xFFFFFFFF  }
0xbb: {  	_ =	strace $0x90000048  }
0xbc: {  	_ =	sfence  }
0xbd: {  	s30 =	sld [smem:$0x0];
	_ =	sdelay $0x2  }
0xbe: {  	s31 =	sshll.u32 s1, $0xD;
	s1 =	sshrl.u32 s1, $0x2  }
0xbf: {  	s3 =	sand.u32 $0x4000, s31;
	s1 =	sadd.s32 s1, s30  }
0xc0: {  	s0 =	sor.u32 s3, s0;
	s1 =	sshll.u32 s1, $0x11  }
0xc1: {  	s0 =	sor.u32 s1, s0  }
0xc2: {  	s0 =	sadd.s32 $0x8F2B, s0  }
0xc3: {  	[sflag:s0] =	ssyncadd.remote.s32 $0x1  }
0xc4: {  	_ =	sfence.sel $0xFFFF  }
0xc5: {  	[dreg:$0x0] =	wrdreg $0xFFFFFFFF;
	(pc) =	sbr.abs _section_cstart, $3  }
0xc6: {  	[dreg:$0x1] =	wrdreg $0xFFFFFFFF  }
0xc7: {  	_ =	task.clear_ibuf [dreg:s7], $0x2FFFF;
	_ =	strace $0x9FFFFFFF  }
0xc8: {  	(tm) =	ssettm $0x7FFFFFFF  }
0xc9: {  	_ =	shalt  }
tec
execute0_lowered:
.L_overlay_start_1:
0x0: {  	(tag) =	ssettag $0x1  }
0x1: {  	s2 =	rddreg [dreg:$0x0]  }
0x2: {  	s16 =	rddreg [dreg:$0x1]  }
0x3: {  	s0 =	rddreg [dreg:$0x2]  }
0x4: {  	s4 =	srdreg.scid;
	s1 =	stileid.u32;
	s3 =	simm.s32 $0x0  }
0x5: {  	s17 =	sand.u32 $0x1, s4;
	s31 =	sshll.u32 s1, $0x1;
	[smem:$0x7FF] =	sst s3  }
0x6: {  	s4 =	simm.s32 $0x2;
	s18 =	sor.u32 s17, s31;
	_ =	strace $0x80000047  }
0x7: {  	[tilespmem:s3], [sflag:$0x2] =	stream.linear.gather [hbm4b:s2+s3], $0x2800, $0x38;
	[tilespmem:$0x7800] =	vst v63  }
0x8: {  	s6 =	smul.u32 $0x500, s18;
	_ =	swait.ge [sflag:s4], $0x2800  }
0x9: {  	s7 =	simm.s32 $0x50;
	s8 =	simm.s32 $0x2800;
	[sflag:s4] =	ssyncset.done $0x0  }
0xa: {  	s5 =	sadd.s32 $0x186E00, s16;
	s6 =	sshrl.u32 s6, $0x2;
	[sflag:s4] =	ssyncadd.s32 $0xFFFFD800  }
0xb: {  	[tilespmem:s8], [sflag:$0x1] =	stream.indirect.gather [hbm4b:s5+s7], $0x40, s6, s7, $0xb8;
	[tilespmem:$0x7800] =	vst v63  }
0xc: {  	s10 =	simm.s32 $0x3C00;
	s9 =	sadd.s32 $0x50, s6  }
0xd: {  	[tilespmem:s10], [sflag:$0x1] =	stream.indirect.gather [hbm4b:s5+s7], $0x40, s9, s7, $0xb8;
	[tilespmem:$0x7800] =	vst v63  }
0xe: {  	s12 =	simm.s32 $0x5000;
	s11 =	sadd.s32 $0xA0, s6  }
0xf: {  	[tilespmem:s12], [sflag:$0x1] =	stream.indirect.gather [hbm4b:s5+s7], $0x40, s11, s7, $0xb8;
	[tilespmem:$0x7800] =	vst v63  }
0x10: {  	s14 =	simm.s32 $0x6400;
	s15 =	simm.s32 $0x1;
	s13 =	sadd.s32 $0xF0, s6  }
0x11: {  	[tilespmem:s14], [sflag:$0x1] =	stream.indirect.gather [hbm4b:s5+s7], $0x40, s13, s7, $0xb8;
	[tilespmem:$0x7800] =	vst v63  }
0x12: {  	_ =	swait.ge [sflag:s15], $0x1400  }
0x13: {  	[sflag:s15] =	ssyncset.done $0x0  }
0x14: {  	[sflag:s15] =	ssyncadd.s32 $0xFFFFEC00  }
0x15: {  	_ =	swait.ge [sflag:s15], $0x1400  }
0x16: {  	[sflag:s15] =	ssyncset.done $0x0  }
0x17: {  	s17 =	ssub.s32 $0x2, s17;
	[sflag:s15] =	ssyncadd.s32 $0xFFFFEC00  }
0x18: {  	s19 =	sshrl.u32 s17, $0x1;
	_ =	swait.ge [sflag:s15], $0x1400  }
0x19: {  	s17 =	ssub.s32 s17, s19;
	[sflag:s15] =	ssyncset.done $0x0  }
0x1a: {  	s18 =	smul.u32 $0xA00, s18;
	s17 =	smax.u32 s17, $0x1;
	[sflag:s15] =	ssyncadd.s32 $0xFFFFEC00  }
0x1b: {  	p0 =	sne.s32 s17, $0x1;
	_ =	swait.ge [sflag:s15], $0x1400  }
.Ltmp0:
0x1c: {  	s16 =	sadd.s32 s18, s16;
	[sflag:s15] =	ssyncset.done $0x0;
	(pc) =	sbr.rel @!p0 .LBB2_2-.Ltmp0, $4  }
0x1d: {  	s16 =	sadd.s32 $0x400, s16;
	[sflag:s15] =	ssyncadd.s32 $0xFFFFEC00  }
0x1e: {  	[hbm4b:s16+s3] =	stream.linear.scatter [tilespmem:s8], [sflag:$0x2], $0x5000, $0x38;
	[tilespmem:$0x7800] =	vst v63  }
0x1f: {  	_ =	swait.ge [sflag:s4], $0x5000  }
0x20: {  	s17 =	sadd.s32 $0xFFFFFFFF, s17;
	[sflag:s4] =	ssyncset.done $0x0  }
.LBB2_1:
0x21: {  	p0 =	sne.s32 s17, $0x1;
	s17 =	sadd.s32 $0xFFFFFFFF, s17;
	[sflag:s4] =	ssyncadd.s32 $0xFFFFB000  }
0x22: {  	[tilespmem:s3], [sflag:$0x2] =	stream.linear.gather [hbm4b:s2+s3], $0x2800, $0x38;
	[tilespmem:$0x7800] =	vst v63  }
0x23: {  	_ =	swait.ge [sflag:s4], $0x2800  }
0x24: {  	[sflag:s4] =	ssyncset.done $0x0  }
0x25: {  	[sflag:s4] =	ssyncadd.s32 $0xFFFFD800  }
0x26: {  	[tilespmem:s8], [sflag:$0x1] =	stream.indirect.gather [hbm4b:s5+s7], $0x40, s6, s7, $0xb8;
	[tilespmem:$0x7800] =	vst v63  }
0x27: {  	_ = 	snop  }
0x28: {  	[tilespmem:s10], [sflag:$0x1] =	stream.indirect.gather [hbm4b:s5+s7], $0x40, s9, s7, $0xb8;
	[tilespmem:$0x7800] =	vst v63  }
0x29: {  	_ = 	snop  }
0x2a: {  	[tilespmem:s12], [sflag:$0x1] =	stream.indirect.gather [hbm4b:s5+s7], $0x40, s11, s7, $0xb8;
	[tilespmem:$0x7800] =	vst v63  }
0x2b: {  	_ = 	snop  }
0x2c: {  	[tilespmem:s14], [sflag:$0x1] =	stream.indirect.gather [hbm4b:s5+s7], $0x40, s13, s7, $0xb8;
	[tilespmem:$0x7800] =	vst v63  }
0x2d: {  	_ =	swait.ge [sflag:s15], $0x1400  }
0x2e: {  	[sflag:s15] =	ssyncset.done $0x0  }
0x2f: {  	[sflag:s15] =	ssyncadd.s32 $0xFFFFEC00  }
0x30: {  	_ =	swait.ge [sflag:s15], $0x1400  }
0x31: {  	[sflag:s15] =	ssyncset.done $0x0  }
0x32: {  	[sflag:s15] =	ssyncadd.s32 $0xFFFFEC00  }
0x33: {  	_ =	swait.ge [sflag:s15], $0x1400  }
0x34: {  	[sflag:s15] =	ssyncset.done $0x0  }
0x35: {  	[sflag:s15] =	ssyncadd.s32 $0xFFFFEC00  }
0x36: {  	_ =	swait.ge [sflag:s15], $0x1400  }
.Ltmp1:
0x37: {  	[sflag:s15] =	ssyncset.done $0x0;
	(pc) =	sbr.rel @p0 .LBB2_1-.Ltmp1, $4  }
0x38: {  	[sflag:s15] =	ssyncadd.s32 $0xFFFFEC00  }
0x39: {  	[hbm4b:s16+s3] =	stream.linear.scatter [tilespmem:s8], [sflag:$0x2], $0x5000, $0x38;
	[tilespmem:$0x7800] =	vst v63  }
0x3a: {  	_ =	swait.ge [sflag:s4], $0x5000  }
0x3b: {  	[sflag:s4] =	ssyncset.done $0x0  }
.LBB2_2:
0x3c: {  	[sflag:s4] =	ssyncadd.s32 $0xFFFFB000  }
0x3d: {  	_ =	sfence.sel $0x180000  }
0x3e: {  	[bflag:$0x0] =	sbarrier.arrive $0xFFFF  }
0x3f: {  	p0 =	sne.s32 s1, $0x0;
	_ =	strace $0x90000047  }
0x40: {  	s0 =	sadd.s32 @!p0 $0x100000, s0;
	[bflag:$0x2] =	sbarrier.arrive $0xFFFF  }
0x41: {  	[sflag:s0] =	ssyncadd.tile.s32 @!p0 $0x1;
	_ =	shalt  }
.Lfunc_end2:
_tile_overlayer_lowered:
.L_overlay_start_2:
0x42: {  	(tag) =	ssettag $0x2  }
0x43: {  	s0 =	rddreg [dreg:$0x0];
	s2 =	stileid.u32  }
0x44: {  	s1 =	rddreg [dreg:$0x1];
	p0 =	sne.s32 s2, $0x0  }
0x45: {  	s3 =	rddreg [dreg:$0x2];
	[bflag:$0x3] =	sbarrier.arrive $0xFFFF;
	s2 =	simm.s32 @!p0 $0x1C02  }
0x46: {  	[timem:s3], [sflag:s2] =	dma.local @!p0 [hbm:s0], s1  }
0x47: {  	s0 =	simm.s32 @!p0 $0x2  }
0x48: {  	_ =	swait.ge @!p0 [sflag:s0], s1  }
0x49: {  	s1 =	ssub.s32 @!p0 $0x0, s1;
	[sflag:s0] =	ssyncset.done @!p0 $0x0  }
0x4a: {  	[sflag:s0] =	ssyncadd.s32 @!p0 s1  }
0x4b: {  	[bflag:$0x3] =	sbarrier.arrive $0xFFFF  }
0x4c: {  	_ =	shalt  }

</sc_bundles>
